<compile_context>
chip_gen: v7x
topology: tpu7x:2x2x1
jax: 0.10.2.dev20260603
libtpu: 0.0.44.dev20260713+nightly
codegen_flags: <defaults>
</compile_context>

<pallas_src>
import functools

import jax
import jax.numpy as jnp
from jax import lax
from jax.experimental import pallas as pl
from jax.experimental.pallas import tpu as pltpu
from jax.experimental.pallas import tpu_sc as plsc

B = 16
N = 32768
D = 128
BLK = 8192
NBLK = N // BLK

NWORKERS = 32
ROWS_W = N // NWORKERS
CH = 64
NCH = ROWS_W // CH


def _sc_segment_sums(x, o):
    mesh = plsc.VectorSubcoreMesh(core_axis_name="c", subcore_axis_name="s")

    @functools.partial(
        pl.kernel,
        out_type=jax.ShapeDtypeStruct((2, B * D), jnp.float32),
        mesh=mesh,
        scratch_types=[
            pltpu.VMEM((16,), jnp.int32),
            pltpu.VMEM((CH, D), jnp.float32),
            pltpu.VMEM((1, B * D), jnp.float32),
            pltpu.VMEM((1,), jnp.int32),
            pltpu.VMEM((CH,), jnp.int32),
            pltpu.VMEM_SHARED((1, B * D), jnp.float32),
        ],
        compiler_params=pltpu.CompilerParams(needs_layout_passes=False),
    )
    def k(x_hbm, o_hbm, z_hbm, out_hbm, o_v, xbuf, acc, zidx, segbuf, shared):
        cid = lax.axis_index("c")
        sid = lax.axis_index("s")
        base = (cid * 16 + sid) * ROWS_W
        pltpu.sync_copy(o_hbm, o_v)
        pltpu.sync_copy(z_hbm, zidx)
        zero16 = jnp.zeros((16,), jnp.float32)
        for i in range(B * D // 16):
            acc[0, pl.ds(i * 16, 16)] = zero16

        @pl.when(sid == 0)
        def _zero_shared():
            pltpu.sync_copy(acc, shared)

        plsc.subcore_barrier()

        row0_idx = jnp.zeros((16,), jnp.int32)
        iota16 = jax.lax.iota(jnp.int32, 16)
        lanek = [iota16 + kk * 16 for kk in range(8)]
        o_vec = o_v[...]
        zero16f = jnp.zeros((16,), jnp.float32)

        def _seg_of(row):
            rvec = jnp.full((16,), row, jnp.int32)
            return jnp.sum(jnp.where(o_vec <= rvec, 1, 0))

        def chunk_body(c, carry):
            row0 = base + c * CH
            pltpu.sync_copy(x_hbm.at[pl.ds(row0, CH)], xbuf)
            seg_first = _seg_of(row0)
            seg_last = _seg_of(row0 + (CH - 1))

            def seg_body(s, carry2):
                start = jnp.sum(jnp.where(iota16 == s - 1, o_vec, 0))
                end = jnp.sum(jnp.where(iota16 == s, o_vec, 0))
                lo = jnp.maximum(row0, start)
                hi = jnp.minimum(row0 + CH, end)

                def row_body(r, accs):
                    rl = r - row0
                    ridx = jnp.full((16,), rl, jnp.int32)
                    return tuple(
                        accs[kk] + plsc.load_gather(
                            xbuf, [ridx, lanek[kk]])
                        for kk in range(8))

                accs = lax.fori_loop(
                    lo, hi, row_body, tuple(zero16f for _ in range(8)))
                segbase = jnp.full((16,), s * D, jnp.int32)
                for kk in range(8):
                    plsc.addupdate_scatter(
                        acc, [row0_idx, segbase + lanek[kk]], accs[kk])
                return carry2

            lax.fori_loop(seg_first, seg_last + 1, seg_body, 0)
            return carry

        lax.fori_loop(0, NCH, chunk_body, 0)
        pltpu.sync_copy(acc, shared.at[zidx], add=True)
        plsc.subcore_barrier()

        @pl.when(sid == 0)
        def _writeback():
            pltpu.sync_copy(shared, out_hbm.at[pl.ds(cid, 1)])

    return k(x, o, jnp.zeros((1,), jnp.int32))


def _seg_onehot_t(j, starts_col, ends_col):
    rows = lax.broadcasted_iota(jnp.int32, (B, BLK), 1) + j * BLK
    mask = (rows >= starts_col) & (rows < ends_col)
    return jnp.where(mask, 1.0, 0.0)


def _body(x_ref, sums_ref, s_ref, o_ref, inv_ref, W2_ref, b2_ref, W1bq_ref,
          b1q_ref, W1aq_ref, gamma_ref, beta_ref, out_ref, y_ref, c_ref):
    phase = pl.program_id(0)
    j = pl.program_id(1)

    @pl.when(phase == 0)
    def _phase0():
        y_ref[pl.ds(j * BLK, BLK), :] = jnp.dot(
            x_ref[...], W1aq_ref[...], preferred_element_type=jnp.float32)

    @pl.when(phase == 1)
    def _phase1():
        @pl.when(j == 0)
        def _pooled_mlp():
            sums = sums_ref[0] + sums_ref[1]
            means = sums * inv_ref[...]
            x_bb = jnp.maximum(
                jnp.dot(means, W2_ref[...], preferred_element_type=jnp.float32)
                + b2_ref[...], 0.0)
            c_ref[...] = jnp.dot(
                x_bb, W1bq_ref[...], preferred_element_type=jnp.float32
            ) + b1q_ref[...]

        onehot_t = _seg_onehot_t(j, s_ref[...], o_ref[...])
        d = y_ref[pl.ds(j * BLK, BLK), :] + lax.dot_general(
            onehot_t, c_ref[...], (((0,), (0,)), ((), ())),
            preferred_element_type=jnp.float32)
        var = jnp.mean(d * d, axis=1, keepdims=True)
        hn = d * lax.rsqrt(var + 1e-5) * gamma_ref[...] + beta_ref[...]
        out_ref[...] = jnp.maximum(hn, 0.0)


@jax.jit
def kernel(p, x, o, W2, b2, W1, b1, gamma, beta):
    del p
    sc_sums = _sc_segment_sums(x, o).reshape(2, B, D)

    o_col = o.reshape(B, 1)
    starts_col = jnp.concatenate(
        [jnp.zeros((1,), jnp.int32), o[:-1]]).reshape(B, 1)
    counts = jnp.concatenate([o[:1], o[1:] - o[:-1]])
    inv_counts = (1.0 / counts.astype(jnp.float32)).reshape(B, 1)

    Q = jnp.eye(D, dtype=jnp.float32) - jnp.float32(1.0 / D)
    W1aq = W1[:D] @ Q
    W1bq = W1[D:] @ Q
    b1q = (b1 @ Q).reshape(1, D)

    x_spec = pl.BlockSpec(
        (BLK, D), lambda ph, j: (jnp.where(ph == 0, j, NBLK - 1), 0))
    out_spec = pl.BlockSpec(
        (BLK, D), lambda ph, j: (jnp.where(ph == 0, 0, j), 0))
    full = lambda *shape: pl.BlockSpec(shape, lambda ph, j: (0,) * len(shape))

    return pl.pallas_call(
        _body,
        grid=(2, NBLK),
        in_specs=[x_spec, full(2, B, D), full(B, 1), full(B, 1), full(B, 1),
                  full(D, D), full(1, D), full(D, D), full(1, D), full(D, D),
                  full(1, D), full(1, D)],
        out_specs=out_spec,
        out_shape=jax.ShapeDtypeStruct((N, D), jnp.float32),
        scratch_shapes=[
            pltpu.VMEM((N, D), jnp.float32),
            pltpu.VMEM((B, D), jnp.float32),
        ],
    )(x, sc_sums, starts_col, o_col, inv_counts, W2, b2.reshape(1, D), W1bq,
      b1q, W1aq, gamma.reshape(1, D), beta.reshape(1, D))

# --- scband reference (transcript-rebuilt; emitter-appended) ---
"""Pipeline reference for scband-transition-up-67439576482089 (READ-ONLY COPY).

The authoritative reference and input builder live on the scoring server;
editing this copy changes nothing except your own understanding.
"""

import jax, jax.numpy as jnp
import numpy as np

B = 16
N = 32768
D = 128


def setup_inputs(seed: int = 0) -> dict:
    key = jax.random.key(seed)
    ks = jax.random.split(key, 8)
    p = jax.random.normal(ks[0], (N, 3), dtype=jnp.float32)
    x = jax.random.normal(ks[1], (N, D), dtype=jnp.float32)
    # cumulative end offsets per batch element (strictly increasing, last == N)
    cuts = jnp.sort(jax.random.choice(ks[2], N - 1, (B - 1,), replace=False) + 1)
    o = jnp.concatenate([cuts, jnp.array([N])]).astype(jnp.int32)
    # linear2: nn.Linear(in_planes, in_planes) followed by ReLU
    W2 = jax.random.normal(ks[3], (D, D), dtype=jnp.float32) * 0.02
    b2 = jnp.zeros((D,), dtype=jnp.float32)
    # linear1: BasicMLP(2*in_planes -> in_planes): Linear + conditional norm (modeled as LayerNorm) + ReLU
    W1 = jax.random.normal(ks[4], (2 * D, D), dtype=jnp.float32) * 0.02
    b1 = jnp.zeros((D,), dtype=jnp.float32)
    gamma = jnp.ones((D,), dtype=jnp.float32)
    beta = jnp.zeros((D,), dtype=jnp.float32)
    return {"p": p, "x": x, "o": o, "W2": W2, "b2": b2, "W1": W1, "b1": b1, "gamma": gamma, "beta": beta}


def _layer_norm(h, gamma, beta, eps=1e-5):
    mu = jnp.mean(h, axis=-1, keepdims=True)
    var = jnp.mean((h - mu) ** 2, axis=-1, keepdims=True)
    return (h - mu) / jnp.sqrt(var + eps) * gamma + beta


def reference(p, x, o, W2, b2, W1, b1, gamma, beta):
    # TransitionUp forward, pxo2=None branch. p is carried in pxo1 but unused in this branch.
    counts = jnp.concatenate([o[:1], o[1:] - o[:-1]])
    seg_ids = jnp.repeat(jnp.arange(B), counts, total_repeat_length=N)
    # per-segment mean: x_b.sum(0, True) / cnt
    sums = jax.ops.segment_sum(x, seg_ids, num_segments=B)
    means = sums / counts[:, None].astype(x.dtype)
    # linear2 applied to pooled feature (Linear then ReLU; conditional norm ignores condition)
    x_bb = jax.nn.relu(means @ W2 + b2)
    # concat token feature with its segment's pooled feature (the .repeat(cnt, 1) broadcast)
    xcat = jnp.concatenate([x, x_bb[seg_ids]], axis=1)
    # linear1: BasicMLP(2D -> D): Linear -> norm(condition) -> ReLU
    h = xcat @ W1 + b1
    h = _layer_norm(h, gamma, beta)
    return jax.nn.relu(h)

if __name__ == "__main__":
    import jax
    _d = setup_inputs()
    print(jax.jit(kernel)(*tuple(_d.values())))

</pallas_src>

<mosaic_0001>
#map = affine_map<(d0, d1) -> (0, 0)>
#map1 = affine_map<(d0, d1) -> (0)>
module attributes {stable_mosaic.version = 14 : i64} {
  func.func @k(%arg0: i32, %arg1: i32, %arg2: memref<32768x128xf32, #tpu.memory_space<hbm>>, %arg3: memref<16xi32, #tpu.memory_space<hbm>>, %arg4: memref<1xi32, #tpu.memory_space<hbm>>, %arg5: memref<2x2048xf32, #tpu.memory_space<hbm>>, %arg6: memref<16xi32, #tpu.memory_space<vmem>>, %arg7: memref<64x128xf32, #tpu.memory_space<vmem>>, %arg8: memref<1x2048xf32, #tpu.memory_space<vmem>>, %arg9: memref<1xi32, #tpu.memory_space<vmem>>, %arg10: memref<64xi32, #tpu.memory_space<vmem>>, %arg11: memref<1x2048xf32, #tpu.memory_space<vmem_shared>>) attributes {dimension_semantics = [#tpu.dimension_semantics<core_parallel>, #tpu.dimension_semantics<subcore_parallel>], iteration_bounds = array<i64: 2, 16>, scalar_prefetch = 0 : i64, scratch_operands = 6 : i64, tpu.core_type = #tpu.core_type<sc_vector_subcore>, window_params = [{transform_indices = #map}, {transform_indices = #map1}, {transform_indices = #map1}, {transform_indices = #map}]} {
    %mul3A = arith.constant 16 : i32
    %mul3A_0 = arith.muli %arg0, %mul3A : i32
    %add3A = arith.addi %mul3A_0, %arg1 : i32
    %mul3A_1 = arith.constant 1024 : i32
    %mul3A_2 = arith.muli %add3A, %mul3A_1 : i32
    "tpu.region"() ({
      %run_scoped3A = tpu.sem_alloc : memref<!tpu.dma_semaphore, #tpu.memory_space<semaphore_mem>>
      tpu.enqueue_dma source(%arg3 : memref<16xi32, #tpu.memory_space<hbm>>) target(%arg6 : memref<16xi32, #tpu.memory_space<vmem>>) target_semaphore(%run_scoped3A : memref<!tpu.dma_semaphore, #tpu.memory_space<semaphore_mem>>)
      tpu.wait_dma2 semaphore(%run_scoped3A : memref<!tpu.dma_semaphore, #tpu.memory_space<semaphore_mem>>) src(%arg3 : memref<16xi32, #tpu.memory_space<hbm>>) dst(%arg6 : memref<16xi32, #tpu.memory_space<vmem>>)
      tpu.yield
    }) : () -> ()
    "tpu.region"() ({
      %run_scoped3A = tpu.sem_alloc : memref<!tpu.dma_semaphore, #tpu.memory_space<semaphore_mem>>
      tpu.enqueue_dma source(%arg4 : memref<1xi32, #tpu.memory_space<hbm>>) target(%arg9 : memref<1xi32, #tpu.memory_space<vmem>>) target_semaphore(%run_scoped3A : memref<!tpu.dma_semaphore, #tpu.memory_space<semaphore_mem>>)
      tpu.wait_dma2 semaphore(%run_scoped3A : memref<!tpu.dma_semaphore, #tpu.memory_space<semaphore_mem>>) src(%arg4 : memref<1xi32, #tpu.memory_space<hbm>>) dst(%arg9 : memref<1xi32, #tpu.memory_space<vmem>>)
      tpu.yield
    }) : () -> ()
    %broadcast_in_dim3A = arith.constant 0.000000e+00 : f32
    %broadcast_in_dim3A_3 = vector.broadcast %broadcast_in_dim3A : f32 to vector<16xf32>
    %swap3A = arith.constant 0 : i32
    %swap3A_4 = arith.index_cast %swap3A : i32 to index
    %swap3A_5 = arith.constant 0 : index
    %swap3A_6 = tpu.vector_load %arg8[%swap3A_4, %swap3A_5] {strides = array<i32>} : memref<1x2048xf32, #tpu.memory_space<vmem>>, vector<16xf32>,
    tpu.vector_store %arg8[%swap3A_4, %swap3A_5], %broadcast_in_dim3A_3 {strides = array<i32>} : memref<1x2048xf32, #tpu.memory_space<vmem>>, vector<16xf32>,
    %swap3A_7 = arith.constant 0 : i32
    %swap3A_8 = arith.index_cast %swap3A_7 : i32 to index
    %swap3A_9 = arith.constant 16 : index
    %swap3A_10 = tpu.vector_load %arg8[%swap3A_8, %swap3A_9] {strides = array<i32>} : memref<1x2048xf32, #tpu.memory_space<vmem>>, vector<16xf32>,
    tpu.vector_store %arg8[%swap3A_8, %swap3A_9], %broadcast_in_dim3A_3 {strides = array<i32>} : memref<1x2048xf32, #tpu.memory_space<vmem>>, vector<16xf32>,
    %swap3A_11 = arith.constant 0 : i32
    %swap3A_12 = arith.index_cast %swap3A_11 : i32 to index
    %swap3A_13 = arith.constant 32 : index
    %swap3A_14 = tpu.vector_load %arg8[%swap3A_12, %swap3A_13] {strides = array<i32>} : memref<1x2048xf32, #tpu.memory_space<vmem>>, vector<16xf32>,
    tpu.vector_store %arg8[%swap3A_12, %swap3A_13], %broadcast_in_dim3A_3 {strides = array<i32>} : memref<1x2048xf32, #tpu.memory_space<vmem>>, vector<16xf32>,
    %swap3A_15 = arith.constant 0 : i32
    %swap3A_16 = arith.index_cast %swap3A_15 : i32 to index
    %swap3A_17 = arith.constant 48 : index
    %swap3A_18 = tpu.vector_load %arg8[%swap3A_16, %swap3A_17] {strides = array<i32>} : memref<1x2048xf32, #tpu.memory_space<vmem>>, vector<16xf32>,
    tpu.vector_store %arg8[%swap3A_16, %swap3A_17], %broadcast_in_dim3A_3 {strides = array<i32>} : memref<1x2048xf32, #tpu.memory_space<vmem>>, vector<16xf32>,
    %swap3A_19 = arith.constant 0 : i32
    %swap3A_20 = arith.index_cast %swap3A_19 : i32 to index
    %swap3A_21 = arith.constant 64 : index
    %swap3A_22 = tpu.vector_load %arg8[%swap3A_20, %swap3A_21] {strides = array<i32>} : memref<1x2048xf32, #tpu.memory_space<vmem>>, vector<16xf32>,
    tpu.vector_store %arg8[%swap3A_20, %swap3A_21], %broadcast_in_dim3A_3 {strides = array<i32>} : memref<1x2048xf32, #tpu.memory_space<vmem>>, vector<16xf32>,
    %swap3A_23 = arith.constant 0 : i32
    %swap3A_24 = arith.index_cast %swap3A_23 : i32 to index
    %swap3A_25 = arith.constant 80 : index
    %swap3A_26 = tpu.vector_load %arg8[%swap3A_24, %swap3A_25] {strides = array<i32>} : memref<1x2048xf32, #tpu.memory_space<vmem>>, vector<16xf32>,
    tpu.vector_store %arg8[%swap3A_24, %swap3A_25], %broadcast_in_dim3A_3 {strides = array<i32>} : memref<1x2048xf32, #tpu.memory_space<vmem>>, vector<16xf32>,
    %swap3A_27 = arith.constant 0 : i32
    %swap3A_28 = arith.index_cast %swap3A_27 : i32 to index
    %swap3A_29 = arith.constant 96 : index
    %swap3A_30 = tpu.vector_load %arg8[%swap3A_28, %swap3A_29] {strides = array<i32>} : memref<1x2048xf32, #tpu.memory_space<vmem>>, vector<16xf32>,
    tpu.vector_store %arg8[%swap3A_28, %swap3A_29], %broadcast_in_dim3A_3 {strides = array<i32>} : memref<1x2048xf32, #tpu.memory_space<vmem>>, vector<16xf32>,
    %swap3A_31 = arith.constant 0 : i32
    %swap3A_32 = arith.index_cast %swap3A_31 : i32 to index
    %swap3A_33 = arith.constant 112 : index
    %swap3A_34 = tpu.vector_load %arg8[%swap3A_32, %swap3A_33] {strides = array<i32>} : memref<1x2048xf32, #tpu.memory_space<vmem>>, vector<16xf32>,
    tpu.vector_store %arg8[%swap3A_32, %swap3A_33], %broadcast_in_dim3A_3 {strides = array<i32>} : memref<1x2048xf32, #tpu.memory_space<vmem>>, vector<16xf32>,
    %swap3A_35 = arith.constant 0 : i32
    %swap3A_36 = arith.index_cast %swap3A_35 : i32 to index
    %swap3A_37 = arith.constant 128 : index
    %swap3A_38 = tpu.vector_load %arg8[%swap3A_36, %swap3A_37] {strides = array<i32>} : memref<1x2048xf32, #tpu.memory_space<vmem>>, vector<16xf32>,
    tpu.vector_store %arg8[%swap3A_36, %swap3A_37], %broadcast_in_dim3A_3 {strides = array<i32>} : memref<1x2048xf32, #tpu.memory_space<vmem>>, vector<16xf32>,
    %swap3A_39 = arith.constant 0 : i32
    %swap3A_40 = arith.index_cast %swap3A_39 : i32 to index
    %swap3A_41 = arith.constant 144 : index
    %swap3A_42 = tpu.vector_load %arg8[%swap3A_40, %swap3A_41] {strides = array<i32>} : memref<1x2048xf32, #tpu.memory_space<vmem>>, vector<16xf32>,
    tpu.vector_store %arg8[%swap3A_40, %swap3A_41], %broadcast_in_dim3A_3 {strides = array<i32>} : memref<1x2048xf32, #tpu.memory_space<vmem>>, vector<16xf32>,
    %swap3A_43 = arith.constant 0 : i32
    %swap3A_44 = arith.index_cast %swap3A_43 : i32 to index
    %swap3A_45 = arith.constant 160 : index
    %swap3A_46 = tpu.vector_load %arg8[%swap3A_44, %swap3A_45] {strides = array<i32>} : memref<1x2048xf32, #tpu.memory_space<vmem>>, vector<16xf32>,
    tpu.vector_store %arg8[%swap3A_44, %swap3A_45], %broadcast_in_dim3A_3 {strides = array<i32>} : memref<1x2048xf32, #tpu.memory_space<vmem>>, vector<16xf32>,
    %swap3A_47 = arith.constant 0 : i32
    %swap3A_48 = arith.index_cast %swap3A_47 : i32 to index
    %swap3A_49 = arith.constant 176 : index
    %swap3A_50 = tpu.vector_load %arg8[%swap3A_48, %swap3A_49] {strides = array<i32>} : memref<1x2048xf32, #tpu.memory_space<vmem>>, vector<16xf32>,
    tpu.vector_store %arg8[%swap3A_48, %swap3A_49], %broadcast_in_dim3A_3 {strides = array<i32>} : memref<1x2048xf32, #tpu.memory_space<vmem>>, vector<16xf32>,
    %swap3A_51 = arith.constant 0 : i32
    %swap3A_52 = arith.index_cast %swap3A_51 : i32 to index
    %swap3A_53 = arith.constant 192 : index
    %swap3A_54 = tpu.vector_load %arg8[%swap3A_52, %swap3A_53] {strides = array<i32>} : memref<1x2048xf32, #tpu.memory_space<vmem>>, vector<16xf32>,
    tpu.vector_store %arg8[%swap3A_52, %swap3A_53], %broadcast_in_dim3A_3 {strides = array<i32>} : memref<1x2048xf32, #tpu.memory_space<vmem>>, vector<16xf32>,
    %swap3A_55 = arith.constant 0 : i32
    %swap3A_56 = arith.index_cast %swap3A_55 : i32 to index
    %swap3A_57 = arith.constant 208 : index
    %swap3A_58 = tpu.vector_load %arg8[%swap3A_56, %swap3A_57] {strides = array<i32>} : memref<1x2048xf32, #tpu.memory_space<vmem>>, vector<16xf32>,
    tpu.vector_store %arg8[%swap3A_56, %swap3A_57], %broadcast_in_dim3A_3 {strides = array<i32>} : memref<1x2048xf32, #tpu.memory_space<vmem>>, vector<16xf32>,
    %swap3A_59 = arith.constant 0 : i32
    %swap3A_60 = arith.index_cast %swap3A_59 : i32 to index
    %swap3A_61 = arith.constant 224 : index
    %swap3A_62 = tpu.vector_load %arg8[%swap3A_60, %swap3A_61] {strides = array<i32>} : memref<1x2048xf32, #tpu.memory_space<vmem>>, vector<16xf32>,
    tpu.vector_store %arg8[%swap3A_60, %swap3A_61], %broadcast_in_dim3A_3 {strides = array<i32>} : memref<1x2048xf32, #tpu.memory_space<vmem>>, vector<16xf32>,
    %swap3A_63 = arith.constant 0 : i32
    %swap3A_64 = arith.index_cast %swap3A_63 : i32 to index
    %swap3A_65 = arith.constant 240 : index
    %swap3A_66 = tpu.vector_load %arg8[%swap3A_64, %swap3A_65] {strides = array<i32>} : memref<1x2048xf32, #tpu.memory_space<vmem>>, vector<16xf32>,
    tpu.vector_store %arg8[%swap3A_64, %swap3A_65], %broadcast_in_dim3A_3 {strides = array<i32>} : memref<1x2048xf32, #tpu.memory_space<vmem>>, vector<16xf32>,
    %swap3A_67 = arith.constant 0 : i32
    %swap3A_68 = arith.index_cast %swap3A_67 : i32 to index
    %swap3A_69 = arith.constant 256 : index
    %swap3A_70 = tpu.vector_load %arg8[%swap3A_68, %swap3A_69] {strides = array<i32>} : memref<1x2048xf32, #tpu.memory_space<vmem>>, vector<16xf32>,
    tpu.vector_store %arg8[%swap3A_68, %swap3A_69], %broadcast_in_dim3A_3 {strides = array<i32>} : memref<1x2048xf32, #tpu.memory_space<vmem>>, vector<16xf32>,
    %swap3A_71 = arith.constant 0 : i32
    %swap3A_72 = arith.index_cast %swap3A_71 : i32 to index
    %swap3A_73 = arith.constant 272 : index
    %swap3A_74 = tpu.vector_load %arg8[%swap3A_72, %swap3A_73] {strides = array<i32>} : memref<1x2048xf32, #tpu.memory_space<vmem>>, vector<16xf32>,
    tpu.vector_store %arg8[%swap3A_72, %swap3A_73], %broadcast_in_dim3A_3 {strides = array<i32>} : memref<1x2048xf32, #tpu.memory_space<vmem>>, vector<16xf32>,
    %swap3A_75 = arith.constant 0 : i32
    %swap3A_76 = arith.index_cast %swap3A_75 : i32 to index
    %swap3A_77 = arith.constant 288 : index
    %swap3A_78 = tpu.vector_load %arg8[%swap3A_76, %swap3A_77] {strides = array<i32>} : memref<1x2048xf32, #tpu.memory_space<vmem>>, vector<16xf32>,
    tpu.vector_store %arg8[%swap3A_76, %swap3A_77], %broadcast_in_dim3A_3 {strides = array<i32>} : memref<1x2048xf32, #tpu.memory_space<vmem>>, vector<16xf32>,
    %swap3A_79 = arith.constant 0 : i32
    %swap3A_80 = arith.index_cast %swap3A_79 : i32 to index
    %swap3A_81 = arith.constant 304 : index
    %swap3A_82 = tpu.vector_load %arg8[%swap3A_80, %swap3A_81] {strides = array<i32>} : memref<1x2048xf32, #tpu.memory_space<vmem>>, vector<16xf32>,
    tpu.vector_store %arg8[%swap3A_80, %swap3A_81], %broadcast_in_dim3A_3 {strides = array<i32>} : memref<1x2048xf32, #tpu.memory_space<vmem>>, vector<16xf32>,
    %swap3A_83 = arith.constant 0 : i32
    %swap3A_84 = arith.index_cast %swap3A_83 : i32 to index
    %swap3A_85 = arith.constant 320 : index
    %swap3A_86 = tpu.vector_load %arg8[%swap3A_84, %swap3A_85] {strides = array<i32>} : memref<1x2048xf32, #tpu.memory_space<vmem>>, vector<16xf32>,
    tpu.vector_store %arg8[%swap3A_84, %swap3A_85], %broadcast_in_dim3A_3 {strides = array<i32>} : memref<1x2048xf32, #tpu.memory_space<vmem>>, vector<16xf32>,
    %swap3A_87 = arith.constant 0 : i32
    %swap3A_88 = arith.index_cast %swap3A_87 : i32 to index
    %swap3A_89 = arith.constant 336 : index
    %swap3A_90 = tpu.vector_load %arg8[%swap3A_88, %swap3A_89] {strides = array<i32>} : memref<1x2048xf32, #tpu.memory_space<vmem>>, vector<16xf32>,
    tpu.vector_store %arg8[%swap3A_88, %swap3A_89], %broadcast_in_dim3A_3 {strides = array<i32>} : memref<1x2048xf32, #tpu.memory_space<vmem>>, vector<16xf32>,
    %swap3A_91 = arith.constant 0 : i32
    %swap3A_92 = arith.index_cast %swap3A_91 : i32 to index
    %swap3A_93 = arith.constant 352 : index
    %swap3A_94 = tpu.vector_load %arg8[%swap3A_92, %swap3A_93] {strides = array<i32>} : memref<1x2048xf32, #tpu.memory_space<vmem>>, vector<16xf32>,
    tpu.vector_store %arg8[%swap3A_92, %swap3A_93], %broadcast_in_dim3A_3 {strides = array<i32>} : memref<1x2048xf32, #tpu.memory_space<vmem>>, vector<16xf32>,
    %swap3A_95 = arith.constant 0 : i32
    %swap3A_96 = arith.index_cast %swap3A_95 : i32 to index
    %swap3A_97 = arith.constant 368 : index
    %swap3A_98 = tpu.vector_load %arg8[%swap3A_96, %swap3A_97] {strides = array<i32>} : memref<1x2048xf32, #tpu.memory_space<vmem>>, vector<16xf32>,
    tpu.vector_store %arg8[%swap3A_96, %swap3A_97], %broadcast_in_dim3A_3 {strides = array<i32>} : memref<1x2048xf32, #tpu.memory_space<vmem>>, vector<16xf32>,
    %swap3A_99 = arith.constant 0 : i32
    %swap3A_100 = arith.index_cast %swap3A_99 : i32 to index
    %swap3A_101 = arith.constant 384 : index
    %swap3A_102 = tpu.vector_load %arg8[%swap3A_100, %swap3A_101] {strides = array<i32>} : memref<1x2048xf32, #tpu.memory_space<vmem>>, vector<16xf32>,
    tpu.vector_store %arg8[%swap3A_100, %swap3A_101], %broadcast_in_dim3A_3 {strides = array<i32>} : memref<1x2048xf32, #tpu.memory_space<vmem>>, vector<16xf32>,
    %swap3A_103 = arith.constant 0 : i32
    %swap3A_104 = arith.index_cast %swap3A_103 : i32 to index
    %swap3A_105 = arith.constant 400 : index
    %swap3A_106 = tpu.vector_load %arg8[%swap3A_104, %swap3A_105] {strides = array<i32>} : memref<1x2048xf32, #tpu.memory_space<vmem>>, vector<16xf32>,
    tpu.vector_store %arg8[%swap3A_104, %swap3A_105], %broadcast_in_dim3A_3 {strides = array<i32>} : memref<1x2048xf32, #tpu.memory_space<vmem>>, vector<16xf32>,
    %swap3A_107 = arith.constant 0 : i32
    %swap3A_108 = arith.index_cast %swap3A_107 : i32 to index
    %swap3A_109 = arith.constant 416 : index
    %swap3A_110 = tpu.vector_load %arg8[%swap3A_108, %swap3A_109] {strides = array<i32>} : memref<1x2048xf32, #tpu.memory_space<vmem>>, vector<16xf32>,
    tpu.vector_store %arg8[%swap3A_108, %swap3A_109], %broadcast_in_dim3A_3 {strides = array<i32>} : memref<1x2048xf32, #tpu.memory_space<vmem>>, vector<16xf32>,
    %swap3A_111 = arith.constant 0 : i32
    %swap3A_112 = arith.index_cast %swap3A_111 : i32 to index
    %swap3A_113 = arith.constant 432 : index
    %swap3A_114 = tpu.vector_load %arg8[%swap3A_112, %swap3A_113] {strides = array<i32>} : memref<1x2048xf32, #tpu.memory_space<vmem>>, vector<16xf32>,
    tpu.vector_store %arg8[%swap3A_112, %swap3A_113], %broadcast_in_dim3A_3 {strides = array<i32>} : memref<1x2048xf32, #tpu.memory_space<vmem>>, vector<16xf32>,
    %swap3A_115 = arith.constant 0 : i32
    %swap3A_116 = arith.index_cast %swap3A_115 : i32 to index
    %swap3A_117 = arith.constant 448 : index
    %swap3A_118 = tpu.vector_load %arg8[%swap3A_116, %swap3A_117] {strides = array<i32>} : memref<1x2048xf32, #tpu.memory_space<vmem>>, vector<16xf32>,
    tpu.vector_store %arg8[%swap3A_116, %swap3A_117], %broadcast_in_dim3A_3 {strides = array<i32>} : memref<1x2048xf32, #tpu.memory_space<vmem>>, vector<16xf32>,
    %swap3A_119 = arith.constant 0 : i32
    %swap3A_120 = arith.index_cast %swap3A_119 : i32 to index
    %swap3A_121 = arith.constant 464 : index
    %swap3A_122 = tpu.vector_load %arg8[%swap3A_120, %swap3A_121] {strides = array<i32>} : memref<1x2048xf32, #tpu.memory_space<vmem>>, vector<16xf32>,
    tpu.vector_store %arg8[%swap3A_120, %swap3A_121], %broadcast_in_dim3A_3 {strides = array<i32>} : memref<1x2048xf32, #tpu.memory_space<vmem>>, vector<16xf32>,
    %swap3A_123 = arith.constant 0 : i32
    %swap3A_124 = arith.index_cast %swap3A_123 : i32 to index
    %swap3A_125 = arith.constant 480 : index
    %swap3A_126 = tpu.vector_load %arg8[%swap3A_124, %swap3A_125] {strides = array<i32>} : memref<1x2048xf32, #tpu.memory_space<vmem>>, vector<16xf32>,
    tpu.vector_store %arg8[%swap3A_124, %swap3A_125], %broadcast_in_dim3A_3 {strides = array<i32>} : memref<1x2048xf32, #tpu.memory_space<vmem>>, vector<16xf32>,
    %swap3A_127 = arith.constant 0 : i32
    %swap3A_128 = arith.index_cast %swap3A_127 : i32 to index
    %swap3A_129 = arith.constant 496 : index
    %swap3A_130 = tpu.vector_load %arg8[%swap3A_128, %swap3A_129] {strides = array<i32>} : memref<1x2048xf32, #tpu.memory_space<vmem>>, vector<16xf32>,
    tpu.vector_store %arg8[%swap3A_128, %swap3A_129], %broadcast_in_dim3A_3 {strides = array<i32>} : memref<1x2048xf32, #tpu.memory_space<vmem>>, vector<16xf32>,
    %swap3A_131 = arith.constant 0 : i32
    %swap3A_132 = arith.index_cast %swap3A_131 : i32 to index
    %swap3A_133 = arith.constant 512 : index
    %swap3A_134 = tpu.vector_load %arg8[%swap3A_132, %swap3A_133] {strides = array<i32>} : memref<1x2048xf32, #tpu.memory_space<vmem>>, vector<16xf32>,
    tpu.vector_store %arg8[%swap3A_132, %swap3A_133], %broadcast_in_dim3A_3 {strides = array<i32>} : memref<1x2048xf32, #tpu.memory_space<vmem>>, vector<16xf32>,
    %swap3A_135 = arith.constant 0 : i32
    %swap3A_136 = arith.index_cast %swap3A_135 : i32 to index
    %swap3A_137 = arith.constant 528 : index
    %swap3A_138 = tpu.vector_load %arg8[%swap3A_136, %swap3A_137] {strides = array<i32>} : memref<1x2048xf32, #tpu.memory_space<vmem>>, vector<16xf32>,
    tpu.vector_store %arg8[%swap3A_136, %swap3A_137], %broadcast_in_dim3A_3 {strides = array<i32>} : memref<1x2048xf32, #tpu.memory_space<vmem>>, vector<16xf32>,
    %swap3A_139 = arith.constant 0 : i32
    %swap3A_140 = arith.index_cast %swap3A_139 : i32 to index
    %swap3A_141 = arith.constant 544 : index
    %swap3A_142 = tpu.vector_load %arg8[%swap3A_140, %swap3A_141] {strides = array<i32>} : memref<1x2048xf32, #tpu.memory_space<vmem>>, vector<16xf32>,
    tpu.vector_store %arg8[%swap3A_140, %swap3A_141], %broadcast_in_dim3A_3 {strides = array<i32>} : memref<1x2048xf32, #tpu.memory_space<vmem>>, vector<16xf32>,
    %swap3A_143 = arith.constant 0 : i32
    %swap3A_144 = arith.index_cast %swap3A_143 : i32 to index
    %swap3A_145 = arith.constant 560 : index
    %swap3A_146 = tpu.vector_load %arg8[%swap3A_144, %swap3A_145] {strides = array<i32>} : memref<1x2048xf32, #tpu.memory_space<vmem>>, vector<16xf32>,
    tpu.vector_store %arg8[%swap3A_144, %swap3A_145], %broadcast_in_dim3A_3 {strides = array<i32>} : memref<1x2048xf32, #tpu.memory_space<vmem>>, vector<16xf32>,
    %swap3A_147 = arith.constant 0 : i32
    %swap3A_148 = arith.index_cast %swap3A_147 : i32 to index
    %swap3A_149 = arith.constant 576 : index
    %swap3A_150 = tpu.vector_load %arg8[%swap3A_148, %swap3A_149] {strides = array<i32>} : memref<1x2048xf32, #tpu.memory_space<vmem>>, vector<16xf32>,
    tpu.vector_store %arg8[%swap3A_148, %swap3A_149], %broadcast_in_dim3A_3 {strides = array<i32>} : memref<1x2048xf32, #tpu.memory_space<vmem>>, vector<16xf32>,
    %swap3A_151 = arith.constant 0 : i32
    %swap3A_152 = arith.index_cast %swap3A_151 : i32 to index
    %swap3A_153 = arith.constant 592 : index
    %swap3A_154 = tpu.vector_load %arg8[%swap3A_152, %swap3A_153] {strides = array<i32>} : memref<1x2048xf32, #tpu.memory_space<vmem>>, vector<16xf32>,
    tpu.vector_store %arg8[%swap3A_152, %swap3A_153], %broadcast_in_dim3A_3 {strides = array<i32>} : memref<1x2048xf32, #tpu.memory_space<vmem>>, vector<16xf32>,
    %swap3A_155 = arith.constant 0 : i32
    %swap3A_156 = arith.index_cast %swap3A_155 : i32 to index
    %swap3A_157 = arith.constant 608 : index
    %swap3A_158 = tpu.vector_load %arg8[%swap3A_156, %swap3A_157] {strides = array<i32>} : memref<1x2048xf32, #tpu.memory_space<vmem>>, vector<16xf32>,
    tpu.vector_store %arg8[%swap3A_156, %swap3A_157], %broadcast_in_dim3A_3 {strides = array<i32>} : memref<1x2048xf32, #tpu.memory_space<vmem>>, vector<16xf32>,
    %swap3A_159 = arith.constant 0 : i32
    %swap3A_160 = arith.index_cast %swap3A_159 : i32 to index
    %swap3A_161 = arith.constant 624 : index
    %swap3A_162 = tpu.vector_load %arg8[%swap3A_160, %swap3A_161] {strides = array<i32>} : memref<1x2048xf32, #tpu.memory_space<vmem>>, vector<16xf32>,
    tpu.vector_store %arg8[%swap3A_160, %swap3A_161], %broadcast_in_dim3A_3 {strides = array<i32>} : memref<1x2048xf32, #tpu.memory_space<vmem>>, vector<16xf32>,
    %swap3A_163 = arith.constant 0 : i32
    %swap3A_164 = arith.index_cast %swap3A_163 : i32 to index
    %swap3A_165 = arith.constant 640 : index
    %swap3A_166 = tpu.vector_load %arg8[%swap3A_164, %swap3A_165] {strides = array<i32>} : memref<1x2048xf32, #tpu.memory_space<vmem>>, vector<16xf32>,
    tpu.vector_store %arg8[%swap3A_164, %swap3A_165], %broadcast_in_dim3A_3 {strides = array<i32>} : memref<1x2048xf32, #tpu.memory_space<vmem>>, vector<16xf32>,
    %swap3A_167 = arith.constant 0 : i32
    %swap3A_168 = arith.index_cast %swap3A_167 : i32 to index
    %swap3A_169 = arith.constant 656 : index
    %swap3A_170 = tpu.vector_load %arg8[%swap3A_168, %swap3A_169] {strides = array<i32>} : memref<1x2048xf32, #tpu.memory_space<vmem>>, vector<16xf32>,
    tpu.vector_store %arg8[%swap3A_168, %swap3A_169], %broadcast_in_dim3A_3 {strides = array<i32>} : memref<1x2048xf32, #tpu.memory_space<vmem>>, vector<16xf32>,
    %swap3A_171 = arith.constant 0 : i32
    %swap3A_172 = arith.index_cast %swap3A_171 : i32 to index
    %swap3A_173 = arith.constant 672 : index
    %swap3A_174 = tpu.vector_load %arg8[%swap3A_172, %swap3A_173] {strides = array<i32>} : memref<1x2048xf32, #tpu.memory_space<vmem>>, vector<16xf32>,
    tpu.vector_store %arg8[%swap3A_172, %swap3A_173], %broadcast_in_dim3A_3 {strides = array<i32>} : memref<1x2048xf32, #tpu.memory_space<vmem>>, vector<16xf32>,
    %swap3A_175 = arith.constant 0 : i32
    %swap3A_176 = arith.index_cast %swap3A_175 : i32 to index
    %swap3A_177 = arith.constant 688 : index
    %swap3A_178 = tpu.vector_load %arg8[%swap3A_176, %swap3A_177] {strides = array<i32>} : memref<1x2048xf32, #tpu.memory_space<vmem>>, vector<16xf32>,
    tpu.vector_store %arg8[%swap3A_176, %swap3A_177], %broadcast_in_dim3A_3 {strides = array<i32>} : memref<1x2048xf32, #tpu.memory_space<vmem>>, vector<16xf32>,
    %swap3A_179 = arith.constant 0 : i32
    %swap3A_180 = arith.index_cast %swap3A_179 : i32 to index
    %swap3A_181 = arith.constant 704 : index
    %swap3A_182 = tpu.vector_load %arg8[%swap3A_180, %swap3A_181] {strides = array<i32>} : memref<1x2048xf32, #tpu.memory_space<vmem>>, vector<16xf32>,
    tpu.vector_store %arg8[%swap3A_180, %swap3A_181], %broadcast_in_dim3A_3 {strides = array<i32>} : memref<1x2048xf32, #tpu.memory_space<vmem>>, vector<16xf32>,
    %swap3A_183 = arith.constant 0 : i32
    %swap3A_184 = arith.index_cast %swap3A_183 : i32 to index
    %swap3A_185 = arith.constant 720 : index
    %swap3A_186 = tpu.vector_load %arg8[%swap3A_184, %swap3A_185] {strides = array<i32>} : memref<1x2048xf32, #tpu.memory_space<vmem>>, vector<16xf32>,
    tpu.vector_store %arg8[%swap3A_184, %swap3A_185], %broadcast_in_dim3A_3 {strides = array<i32>} : memref<1x2048xf32, #tpu.memory_space<vmem>>, vector<16xf32>,
    %swap3A_187 = arith.constant 0 : i32
    %swap3A_188 = arith.index_cast %swap3A_187 : i32 to index
    %swap3A_189 = arith.constant 736 : index
    %swap3A_190 = tpu.vector_load %arg8[%swap3A_188, %swap3A_189] {strides = array<i32>} : memref<1x2048xf32, #tpu.memory_space<vmem>>, vector<16xf32>,
    tpu.vector_store %arg8[%swap3A_188, %swap3A_189], %broadcast_in_dim3A_3 {strides = array<i32>} : memref<1x2048xf32, #tpu.memory_space<vmem>>, vector<16xf32>,
    %swap3A_191 = arith.constant 0 : i32
    %swap3A_192 = arith.index_cast %swap3A_191 : i32 to index
    %swap3A_193 = arith.constant 752 : index
    %swap3A_194 = tpu.vector_load %arg8[%swap3A_192, %swap3A_193] {strides = array<i32>} : memref<1x2048xf32, #tpu.memory_space<vmem>>, vector<16xf32>,
    tpu.vector_store %arg8[%swap3A_192, %swap3A_193], %broadcast_in_dim3A_3 {strides = array<i32>} : memref<1x2048xf32, #tpu.memory_space<vmem>>, vector<16xf32>,
    %swap3A_195 = arith.constant 0 : i32
    %swap3A_196 = arith.index_cast %swap3A_195 : i32 to index
    %swap3A_197 = arith.constant 768 : index
    %swap3A_198 = tpu.vector_load %arg8[%swap3A_196, %swap3A_197] {strides = array<i32>} : memref<1x2048xf32, #tpu.memory_space<vmem>>, vector<16xf32>,
    tpu.vector_store %arg8[%swap3A_196, %swap3A_197], %broadcast_in_dim3A_3 {strides = array<i32>} : memref<1x2048xf32, #tpu.memory_space<vmem>>, vector<16xf32>,
    %swap3A_199 = arith.constant 0 : i32
    %swap3A_200 = arith.index_cast %swap3A_199 : i32 to index
    %swap3A_201 = arith.constant 784 : index
    %swap3A_202 = tpu.vector_load %arg8[%swap3A_200, %swap3A_201] {strides = array<i32>} : memref<1x2048xf32, #tpu.memory_space<vmem>>, vector<16xf32>,
    tpu.vector_store %arg8[%swap3A_200, %swap3A_201], %broadcast_in_dim3A_3 {strides = array<i32>} : memref<1x2048xf32, #tpu.memory_space<vmem>>, vector<16xf32>,
    %swap3A_203 = arith.constant 0 : i32
    %swap3A_204 = arith.index_cast %swap3A_203 : i32 to index
    %swap3A_205 = arith.constant 800 : index
    %swap3A_206 = tpu.vector_load %arg8[%swap3A_204, %swap3A_205] {strides = array<i32>} : memref<1x2048xf32, #tpu.memory_space<vmem>>, vector<16xf32>,
    tpu.vector_store %arg8[%swap3A_204, %swap3A_205], %broadcast_in_dim3A_3 {strides = array<i32>} : memref<1x2048xf32, #tpu.memory_space<vmem>>, vector<16xf32>,
    %swap3A_207 = arith.constant 0 : i32
    %swap3A_208 = arith.index_cast %swap3A_207 : i32 to index
    %swap3A_209 = arith.constant 816 : index
    %swap3A_210 = tpu.vector_load %arg8[%swap3A_208, %swap3A_209] {strides = array<i32>} : memref<1x2048xf32, #tpu.memory_space<vmem>>, vector<16xf32>,
    tpu.vector_store %arg8[%swap3A_208, %swap3A_209], %broadcast_in_dim3A_3 {strides = array<i32>} : memref<1x2048xf32, #tpu.memory_space<vmem>>, vector<16xf32>,
    %swap3A_211 = arith.constant 0 : i32
    %swap3A_212 = arith.index_cast %swap3A_211 : i32 to index
    %swap3A_213 = arith.constant 832 : index
    %swap3A_214 = tpu.vector_load %arg8[%swap3A_212, %swap3A_213] {strides = array<i32>} : memref<1x2048xf32, #tpu.memory_space<vmem>>, vector<16xf32>,
    tpu.vector_store %arg8[%swap3A_212, %swap3A_213], %broadcast_in_dim3A_3 {strides = array<i32>} : memref<1x2048xf32, #tpu.memory_space<vmem>>, vector<16xf32>,
    %swap3A_215 = arith.constant 0 : i32
    %swap3A_216 = arith.index_cast %swap3A_215 : i32 to index
    %swap3A_217 = arith.constant 848 : index
    %swap3A_218 = tpu.vector_load %arg8[%swap3A_216, %swap3A_217] {strides = array<i32>} : memref<1x2048xf32, #tpu.memory_space<vmem>>, vector<16xf32>,
    tpu.vector_store %arg8[%swap3A_216, %swap3A_217], %broadcast_in_dim3A_3 {strides = array<i32>} : memref<1x2048xf32, #tpu.memory_space<vmem>>, vector<16xf32>,
    %swap3A_219 = arith.constant 0 : i32
    %swap3A_220 = arith.index_cast %swap3A_219 : i32 to index
    %swap3A_221 = arith.constant 864 : index
    %swap3A_222 = tpu.vector_load %arg8[%swap3A_220, %swap3A_221] {strides = array<i32>} : memref<1x2048xf32, #tpu.memory_space<vmem>>, vector<16xf32>,
    tpu.vector_store %arg8[%swap3A_220, %swap3A_221], %broadcast_in_dim3A_3 {strides = array<i32>} : memref<1x2048xf32, #tpu.memory_space<vmem>>, vector<16xf32>,
    %swap3A_223 = arith.constant 0 : i32
    %swap3A_224 = arith.index_cast %swap3A_223 : i32 to index
    %swap3A_225 = arith.constant 880 : index
    %swap3A_226 = tpu.vector_load %arg8[%swap3A_224, %swap3A_225] {strides = array<i32>} : memref<1x2048xf32, #tpu.memory_space<vmem>>, vector<16xf32>,
    tpu.vector_store %arg8[%swap3A_224, %swap3A_225], %broadcast_in_dim3A_3 {strides = array<i32>} : memref<1x2048xf32, #tpu.memory_space<vmem>>, vector<16xf32>,
    %swap3A_227 = arith.constant 0 : i32
    %swap3A_228 = arith.index_cast %swap3A_227 : i32 to index
    %swap3A_229 = arith.constant 896 : index
    %swap3A_230 = tpu.vector_load %arg8[%swap3A_228, %swap3A_229] {strides = array<i32>} : memref<1x2048xf32, #tpu.memory_space<vmem>>, vector<16xf32>,
    tpu.vector_store %arg8[%swap3A_228, %swap3A_229], %broadcast_in_dim3A_3 {strides = array<i32>} : memref<1x2048xf32, #tpu.memory_space<vmem>>, vector<16xf32>,
    %swap3A_231 = arith.constant 0 : i32
    %swap3A_232 = arith.index_cast %swap3A_231 : i32 to index
    %swap3A_233 = arith.constant 912 : index
    %swap3A_234 = tpu.vector_load %arg8[%swap3A_232, %swap3A_233] {strides = array<i32>} : memref<1x2048xf32, #tpu.memory_space<vmem>>, vector<16xf32>,
    tpu.vector_store %arg8[%swap3A_232, %swap3A_233], %broadcast_in_dim3A_3 {strides = array<i32>} : memref<1x2048xf32, #tpu.memory_space<vmem>>, vector<16xf32>,
    %swap3A_235 = arith.constant 0 : i32
    %swap3A_236 = arith.index_cast %swap3A_235 : i32 to index
    %swap3A_237 = arith.constant 928 : index
    %swap3A_238 = tpu.vector_load %arg8[%swap3A_236, %swap3A_237] {strides = array<i32>} : memref<1x2048xf32, #tpu.memory_space<vmem>>, vector<16xf32>,
    tpu.vector_store %arg8[%swap3A_236, %swap3A_237], %broadcast_in_dim3A_3 {strides = array<i32>} : memref<1x2048xf32, #tpu.memory_space<vmem>>, vector<16xf32>,
    %swap3A_239 = arith.constant 0 : i32
    %swap3A_240 = arith.index_cast %swap3A_239 : i32 to index
    %swap3A_241 = arith.constant 944 : index
    %swap3A_242 = tpu.vector_load %arg8[%swap3A_240, %swap3A_241] {strides = array<i32>} : memref<1x2048xf32, #tpu.memory_space<vmem>>, vector<16xf32>,
    tpu.vector_store %arg8[%swap3A_240, %swap3A_241], %broadcast_in_dim3A_3 {strides = array<i32>} : memref<1x2048xf32, #tpu.memory_space<vmem>>, vector<16xf32>,
    %swap3A_243 = arith.constant 0 : i32
    %swap3A_244 = arith.index_cast %swap3A_243 : i32 to index
    %swap3A_245 = arith.constant 960 : index
    %swap3A_246 = tpu.vector_load %arg8[%swap3A_244, %swap3A_245] {strides = array<i32>} : memref<1x2048xf32, #tpu.memory_space<vmem>>, vector<16xf32>,
    tpu.vector_store %arg8[%swap3A_244, %swap3A_245], %broadcast_in_dim3A_3 {strides = array<i32>} : memref<1x2048xf32, #tpu.memory_space<vmem>>, vector<16xf32>,
    %swap3A_247 = arith.constant 0 : i32
    %swap3A_248 = arith.index_cast %swap3A_247 : i32 to index
    %swap3A_249 = arith.constant 976 : index
    %swap3A_250 = tpu.vector_load %arg8[%swap3A_248, %swap3A_249] {strides = array<i32>} : memref<1x2048xf32, #tpu.memory_space<vmem>>, vector<16xf32>,
    tpu.vector_store %arg8[%swap3A_248, %swap3A_249], %broadcast_in_dim3A_3 {strides = array<i32>} : memref<1x2048xf32, #tpu.memory_space<vmem>>, vector<16xf32>,
    %swap3A_251 = arith.constant 0 : i32
    %swap3A_252 = arith.index_cast %swap3A_251 : i32 to index
    %swap3A_253 = arith.constant 992 : index
    %swap3A_254 = tpu.vector_load %arg8[%swap3A_252, %swap3A_253] {strides = array<i32>} : memref<1x2048xf32, #tpu.memory_space<vmem>>, vector<16xf32>,
    tpu.vector_store %arg8[%swap3A_252, %swap3A_253], %broadcast_in_dim3A_3 {strides = array<i32>} : memref<1x2048xf32, #tpu.memory_space<vmem>>, vector<16xf32>,
    %swap3A_255 = arith.constant 0 : i32
    %swap3A_256 = arith.index_cast %swap3A_255 : i32 to index
    %swap3A_257 = arith.constant 1008 : index
    %swap3A_258 = tpu.vector_load %arg8[%swap3A_256, %swap3A_257] {strides = array<i32>} : memref<1x2048xf32, #tpu.memory_space<vmem>>, vector<16xf32>,
    tpu.vector_store %arg8[%swap3A_256, %swap3A_257], %broadcast_in_dim3A_3 {strides = array<i32>} : memref<1x2048xf32, #tpu.memory_space<vmem>>, vector<16xf32>,
    %swap3A_259 = arith.constant 0 : i32
    %swap3A_260 = arith.index_cast %swap3A_259 : i32 to index
    %swap3A_261 = arith.constant 1024 : index
    %swap3A_262 = tpu.vector_load %arg8[%swap3A_260, %swap3A_261] {strides = array<i32>} : memref<1x2048xf32, #tpu.memory_space<vmem>>, vector<16xf32>,
    tpu.vector_store %arg8[%swap3A_260, %swap3A_261], %broadcast_in_dim3A_3 {strides = array<i32>} : memref<1x2048xf32, #tpu.memory_space<vmem>>, vector<16xf32>,
    %swap3A_263 = arith.constant 0 : i32
    %swap3A_264 = arith.index_cast %swap3A_263 : i32 to index
    %swap3A_265 = arith.constant 1040 : index
    %swap3A_266 = tpu.vector_load %arg8[%swap3A_264, %swap3A_265] {strides = array<i32>} : memref<1x2048xf32, #tpu.memory_space<vmem>>, vector<16xf32>,
    tpu.vector_store %arg8[%swap3A_264, %swap3A_265], %broadcast_in_dim3A_3 {strides = array<i32>} : memref<1x2048xf32, #tpu.memory_space<vmem>>, vector<16xf32>,
    %swap3A_267 = arith.constant 0 : i32
    %swap3A_268 = arith.index_cast %swap3A_267 : i32 to index
    %swap3A_269 = arith.constant 1056 : index
    %swap3A_270 = tpu.vector_load %arg8[%swap3A_268, %swap3A_269] {strides = array<i32>} : memref<1x2048xf32, #tpu.memory_space<vmem>>, vector<16xf32>,
    tpu.vector_store %arg8[%swap3A_268, %swap3A_269], %broadcast_in_dim3A_3 {strides = array<i32>} : memref<1x2048xf32, #tpu.memory_space<vmem>>, vector<16xf32>,
    %swap3A_271 = arith.constant 0 : i32
    %swap3A_272 = arith.index_cast %swap3A_271 : i32 to index
    %swap3A_273 = arith.constant 1072 : index
    %swap3A_274 = tpu.vector_load %arg8[%swap3A_272, %swap3A_273] {strides = array<i32>} : memref<1x2048xf32, #tpu.memory_space<vmem>>, vector<16xf32>,
    tpu.vector_store %arg8[%swap3A_272, %swap3A_273], %broadcast_in_dim3A_3 {strides = array<i32>} : memref<1x2048xf32, #tpu.memory_space<vmem>>, vector<16xf32>,
    %swap3A_275 = arith.constant 0 : i32
    %swap3A_276 = arith.index_cast %swap3A_275 : i32 to index
    %swap3A_277 = arith.constant 1088 : index
    %swap3A_278 = tpu.vector_load %arg8[%swap3A_276, %swap3A_277] {strides = array<i32>} : memref<1x2048xf32, #tpu.memory_space<vmem>>, vector<16xf32>,
    tpu.vector_store %arg8[%swap3A_276, %swap3A_277], %broadcast_in_dim3A_3 {strides = array<i32>} : memref<1x2048xf32, #tpu.memory_space<vmem>>, vector<16xf32>,
    %swap3A_279 = arith.constant 0 : i32
    %swap3A_280 = arith.index_cast %swap3A_279 : i32 to index
    %swap3A_281 = arith.constant 1104 : index
    %swap3A_282 = tpu.vector_load %arg8[%swap3A_280, %swap3A_281] {strides = array<i32>} : memref<1x2048xf32, #tpu.memory_space<vmem>>, vector<16xf32>,
    tpu.vector_store %arg8[%swap3A_280, %swap3A_281], %broadcast_in_dim3A_3 {strides = array<i32>} : memref<1x2048xf32, #tpu.memory_space<vmem>>, vector<16xf32>,
    %swap3A_283 = arith.constant 0 : i32
    %swap3A_284 = arith.index_cast %swap3A_283 : i32 to index
    %swap3A_285 = arith.constant 1120 : index
    %swap3A_286 = tpu.vector_load %arg8[%swap3A_284, %swap3A_285] {strides = array<i32>} : memref<1x2048xf32, #tpu.memory_space<vmem>>, vector<16xf32>,
    tpu.vector_store %arg8[%swap3A_284, %swap3A_285], %broadcast_in_dim3A_3 {strides = array<i32>} : memref<1x2048xf32, #tpu.memory_space<vmem>>, vector<16xf32>,
    %swap3A_287 = arith.constant 0 : i32
    %swap3A_288 = arith.index_cast %swap3A_287 : i32 to index
    %swap3A_289 = arith.constant 1136 : index
    %swap3A_290 = tpu.vector_load %arg8[%swap3A_288, %swap3A_289] {strides = array<i32>} : memref<1x2048xf32, #tpu.memory_space<vmem>>, vector<16xf32>,
    tpu.vector_store %arg8[%swap3A_288, %swap3A_289], %broadcast_in_dim3A_3 {strides = array<i32>} : memref<1x2048xf32, #tpu.memory_space<vmem>>, vector<16xf32>,
    %swap3A_291 = arith.constant 0 : i32
    %swap3A_292 = arith.index_cast %swap3A_291 : i32 to index
    %swap3A_293 = arith.constant 1152 : index
    %swap3A_294 = tpu.vector_load %arg8[%swap3A_292, %swap3A_293] {strides = array<i32>} : memref<1x2048xf32, #tpu.memory_space<vmem>>, vector<16xf32>,
    tpu.vector_store %arg8[%swap3A_292, %swap3A_293], %broadcast_in_dim3A_3 {strides = array<i32>} : memref<1x2048xf32, #tpu.memory_space<vmem>>, vector<16xf32>,
    %swap3A_295 = arith.constant 0 : i32
    %swap3A_296 = arith.index_cast %swap3A_295 : i32 to index
    %swap3A_297 = arith.constant 1168 : index
    %swap3A_298 = tpu.vector_load %arg8[%swap3A_296, %swap3A_297] {strides = array<i32>} : memref<1x2048xf32, #tpu.memory_space<vmem>>, vector<16xf32>,
    tpu.vector_store %arg8[%swap3A_296, %swap3A_297], %broadcast_in_dim3A_3 {strides = array<i32>} : memref<1x2048xf32, #tpu.memory_space<vmem>>, vector<16xf32>,
    %swap3A_299 = arith.constant 0 : i32
    %swap3A_300 = arith.index_cast %swap3A_299 : i32 to index
    %swap3A_301 = arith.constant 1184 : index
    %swap3A_302 = tpu.vector_load %arg8[%swap3A_300, %swap3A_301] {strides = array<i32>} : memref<1x2048xf32, #tpu.memory_space<vmem>>, vector<16xf32>,
    tpu.vector_store %arg8[%swap3A_300, %swap3A_301], %broadcast_in_dim3A_3 {strides = array<i32>} : memref<1x2048xf32, #tpu.memory_space<vmem>>, vector<16xf32>,
    %swap3A_303 = arith.constant 0 : i32
    %swap3A_304 = arith.index_cast %swap3A_303 : i32 to index
    %swap3A_305 = arith.constant 1200 : index
    %swap3A_306 = tpu.vector_load %arg8[%swap3A_304, %swap3A_305] {strides = array<i32>} : memref<1x2048xf32, #tpu.memory_space<vmem>>, vector<16xf32>,
    tpu.vector_store %arg8[%swap3A_304, %swap3A_305], %broadcast_in_dim3A_3 {strides = array<i32>} : memref<1x2048xf32, #tpu.memory_space<vmem>>, vector<16xf32>,
    %swap3A_307 = arith.constant 0 : i32
    %swap3A_308 = arith.index_cast %swap3A_307 : i32 to index
    %swap3A_309 = arith.constant 1216 : index
    %swap3A_310 = tpu.vector_load %arg8[%swap3A_308, %swap3A_309] {strides = array<i32>} : memref<1x2048xf32, #tpu.memory_space<vmem>>, vector<16xf32>,
    tpu.vector_store %arg8[%swap3A_308, %swap3A_309], %broadcast_in_dim3A_3 {strides = array<i32>} : memref<1x2048xf32, #tpu.memory_space<vmem>>, vector<16xf32>,
    %swap3A_311 = arith.constant 0 : i32
    %swap3A_312 = arith.index_cast %swap3A_311 : i32 to index
    %swap3A_313 = arith.constant 1232 : index
    %swap3A_314 = tpu.vector_load %arg8[%swap3A_312, %swap3A_313] {strides = array<i32>} : memref<1x2048xf32, #tpu.memory_space<vmem>>, vector<16xf32>,
    tpu.vector_store %arg8[%swap3A_312, %swap3A_313], %broadcast_in_dim3A_3 {strides = array<i32>} : memref<1x2048xf32, #tpu.memory_space<vmem>>, vector<16xf32>,
    %swap3A_315 = arith.constant 0 : i32
    %swap3A_316 = arith.index_cast %swap3A_315 : i32 to index
    %swap3A_317 = arith.constant 1248 : index
    %swap3A_318 = tpu.vector_load %arg8[%swap3A_316, %swap3A_317] {strides = array<i32>} : memref<1x2048xf32, #tpu.memory_space<vmem>>, vector<16xf32>,
    tpu.vector_store %arg8[%swap3A_316, %swap3A_317], %broadcast_in_dim3A_3 {strides = array<i32>} : memref<1x2048xf32, #tpu.memory_space<vmem>>, vector<16xf32>,
    %swap3A_319 = arith.constant 0 : i32
    %swap3A_320 = arith.index_cast %swap3A_319 : i32 to index
    %swap3A_321 = arith.constant 1264 : index
    %swap3A_322 = tpu.vector_load %arg8[%swap3A_320, %swap3A_321] {strides = array<i32>} : memref<1x2048xf32, #tpu.memory_space<vmem>>, vector<16xf32>,
    tpu.vector_store %arg8[%swap3A_320, %swap3A_321], %broadcast_in_dim3A_3 {strides = array<i32>} : memref<1x2048xf32, #tpu.memory_space<vmem>>, vector<16xf32>,
    %swap3A_323 = arith.constant 0 : i32
    %swap3A_324 = arith.index_cast %swap3A_323 : i32 to index
    %swap3A_325 = arith.constant 1280 : index
    %swap3A_326 = tpu.vector_load %arg8[%swap3A_324, %swap3A_325] {strides = array<i32>} : memref<1x2048xf32, #tpu.memory_space<vmem>>, vector<16xf32>,
    tpu.vector_store %arg8[%swap3A_324, %swap3A_325], %broadcast_in_dim3A_3 {strides = array<i32>} : memref<1x2048xf32, #tpu.memory_space<vmem>>, vector<16xf32>,
    %swap3A_327 = arith.constant 0 : i32
    %swap3A_328 = arith.index_cast %swap3A_327 : i32 to index
    %swap3A_329 = arith.constant 1296 : index
    %swap3A_330 = tpu.vector_load %arg8[%swap3A_328, %swap3A_329] {strides = array<i32>} : memref<1x2048xf32, #tpu.memory_space<vmem>>, vector<16xf32>,
    tpu.vector_store %arg8[%swap3A_328, %swap3A_329], %broadcast_in_dim3A_3 {strides = array<i32>} : memref<1x2048xf32, #tpu.memory_space<vmem>>, vector<16xf32>,
    %swap3A_331 = arith.constant 0 : i32
    %swap3A_332 = arith.index_cast %swap3A_331 : i32 to index
    %swap3A_333 = arith.constant 1312 : index
    %swap3A_334 = tpu.vector_load %arg8[%swap3A_332, %swap3A_333] {strides = array<i32>} : memref<1x2048xf32, #tpu.memory_space<vmem>>, vector<16xf32>,
    tpu.vector_store %arg8[%swap3A_332, %swap3A_333], %broadcast_in_dim3A_3 {strides = array<i32>} : memref<1x2048xf32, #tpu.memory_space<vmem>>, vector<16xf32>,
    %swap3A_335 = arith.constant 0 : i32
    %swap3A_336 = arith.index_cast %swap3A_335 : i32 to index
    %swap3A_337 = arith.constant 1328 : index
    %swap3A_338 = tpu.vector_load %arg8[%swap3A_336, %swap3A_337] {strides = array<i32>} : memref<1x2048xf32, #tpu.memory_space<vmem>>, vector<16xf32>,
    tpu.vector_store %arg8[%swap3A_336, %swap3A_337], %broadcast_in_dim3A_3 {strides = array<i32>} : memref<1x2048xf32, #tpu.memory_space<vmem>>, vector<16xf32>,
    %swap3A_339 = arith.constant 0 : i32
    %swap3A_340 = arith.index_cast %swap3A_339 : i32 to index
    %swap3A_341 = arith.constant 1344 : index
    %swap3A_342 = tpu.vector_load %arg8[%swap3A_340, %swap3A_341] {strides = array<i32>} : memref<1x2048xf32, #tpu.memory_space<vmem>>, vector<16xf32>,
    tpu.vector_store %arg8[%swap3A_340, %swap3A_341], %broadcast_in_dim3A_3 {strides = array<i32>} : memref<1x2048xf32, #tpu.memory_space<vmem>>, vector<16xf32>,
    %swap3A_343 = arith.constant 0 : i32
    %swap3A_344 = arith.index_cast %swap3A_343 : i32 to index
    %swap3A_345 = arith.constant 1360 : index
    %swap3A_346 = tpu.vector_load %arg8[%swap3A_344, %swap3A_345] {strides = array<i32>} : memref<1x2048xf32, #tpu.memory_space<vmem>>, vector<16xf32>,
    tpu.vector_store %arg8[%swap3A_344, %swap3A_345], %broadcast_in_dim3A_3 {strides = array<i32>} : memref<1x2048xf32, #tpu.memory_space<vmem>>, vector<16xf32>,
    %swap3A_347 = arith.constant 0 : i32
    %swap3A_348 = arith.index_cast %swap3A_347 : i32 to index
    %swap3A_349 = arith.constant 1376 : index
    %swap3A_350 = tpu.vector_load %arg8[%swap3A_348, %swap3A_349] {strides = array<i32>} : memref<1x2048xf32, #tpu.memory_space<vmem>>, vector<16xf32>,
    tpu.vector_store %arg8[%swap3A_348, %swap3A_349], %broadcast_in_dim3A_3 {strides = array<i32>} : memref<1x2048xf32, #tpu.memory_space<vmem>>, vector<16xf32>,
    %swap3A_351 = arith.constant 0 : i32
    %swap3A_352 = arith.index_cast %swap3A_351 : i32 to index
    %swap3A_353 = arith.constant 1392 : index
    %swap3A_354 = tpu.vector_load %arg8[%swap3A_352, %swap3A_353] {strides = array<i32>} : memref<1x2048xf32, #tpu.memory_space<vmem>>, vector<16xf32>,
    tpu.vector_store %arg8[%swap3A_352, %swap3A_353], %broadcast_in_dim3A_3 {strides = array<i32>} : memref<1x2048xf32, #tpu.memory_space<vmem>>, vector<16xf32>,
    %swap3A_355 = arith.constant 0 : i32
    %swap3A_356 = arith.index_cast %swap3A_355 : i32 to index
    %swap3A_357 = arith.constant 1408 : index
    %swap3A_358 = tpu.vector_load %arg8[%swap3A_356, %swap3A_357] {strides = array<i32>} : memref<1x2048xf32, #tpu.memory_space<vmem>>, vector<16xf32>,
    tpu.vector_store %arg8[%swap3A_356, %swap3A_357], %broadcast_in_dim3A_3 {strides = array<i32>} : memref<1x2048xf32, #tpu.memory_space<vmem>>, vector<16xf32>,
    %swap3A_359 = arith.constant 0 : i32
    %swap3A_360 = arith.index_cast %swap3A_359 : i32 to index
    %swap3A_361 = arith.constant 1424 : index
    %swap3A_362 = tpu.vector_load %arg8[%swap3A_360, %swap3A_361] {strides = array<i32>} : memref<1x2048xf32, #tpu.memory_space<vmem>>, vector<16xf32>,
    tpu.vector_store %arg8[%swap3A_360, %swap3A_361], %broadcast_in_dim3A_3 {strides = array<i32>} : memref<1x2048xf32, #tpu.memory_space<vmem>>, vector<16xf32>,
    %swap3A_363 = arith.constant 0 : i32
    %swap3A_364 = arith.index_cast %swap3A_363 : i32 to index
    %swap3A_365 = arith.constant 1440 : index
    %swap3A_366 = tpu.vector_load %arg8[%swap3A_364, %swap3A_365] {strides = array<i32>} : memref<1x2048xf32, #tpu.memory_space<vmem>>, vector<16xf32>,
    tpu.vector_store %arg8[%swap3A_364, %swap3A_365], %broadcast_in_dim3A_3 {strides = array<i32>} : memref<1x2048xf32, #tpu.memory_space<vmem>>, vector<16xf32>,
    %swap3A_367 = arith.constant 0 : i32
    %swap3A_368 = arith.index_cast %swap3A_367 : i32 to index
    %swap3A_369 = arith.constant 1456 : index
    %swap3A_370 = tpu.vector_load %arg8[%swap3A_368, %swap3A_369] {strides = array<i32>} : memref<1x2048xf32, #tpu.memory_space<vmem>>, vector<16xf32>,
    tpu.vector_store %arg8[%swap3A_368, %swap3A_369], %broadcast_in_dim3A_3 {strides = array<i32>} : memref<1x2048xf32, #tpu.memory_space<vmem>>, vector<16xf32>,
    %swap3A_371 = arith.constant 0 : i32
    %swap3A_372 = arith.index_cast %swap3A_371 : i32 to index
    %swap3A_373 = arith.constant 1472 : index
    %swap3A_374 = tpu.vector_load %arg8[%swap3A_372, %swap3A_373] {strides = array<i32>} : memref<1x2048xf32, #tpu.memory_space<vmem>>, vector<16xf32>,
    tpu.vector_store %arg8[%swap3A_372, %swap3A_373], %broadcast_in_dim3A_3 {strides = array<i32>} : memref<1x2048xf32, #tpu.memory_space<vmem>>, vector<16xf32>,
    %swap3A_375 = arith.constant 0 : i32
    %swap3A_376 = arith.index_cast %swap3A_375 : i32 to index
    %swap3A_377 = arith.constant 1488 : index
    %swap3A_378 = tpu.vector_load %arg8[%swap3A_376, %swap3A_377] {strides = array<i32>} : memref<1x2048xf32, #tpu.memory_space<vmem>>, vector<16xf32>,
    tpu.vector_store %arg8[%swap3A_376, %swap3A_377], %broadcast_in_dim3A_3 {strides = array<i32>} : memref<1x2048xf32, #tpu.memory_space<vmem>>, vector<16xf32>,
    %swap3A_379 = arith.constant 0 : i32
    %swap3A_380 = arith.index_cast %swap3A_379 : i32 to index
    %swap3A_381 = arith.constant 1504 : index
    %swap3A_382 = tpu.vector_load %arg8[%swap3A_380, %swap3A_381] {strides = array<i32>} : memref<1x2048xf32, #tpu.memory_space<vmem>>, vector<16xf32>,
    tpu.vector_store %arg8[%swap3A_380, %swap3A_381], %broadcast_in_dim3A_3 {strides = array<i32>} : memref<1x2048xf32, #tpu.memory_space<vmem>>, vector<16xf32>,
    %swap3A_383 = arith.constant 0 : i32
    %swap3A_384 = arith.index_cast %swap3A_383 : i32 to index
    %swap3A_385 = arith.constant 1520 : index
    %swap3A_386 = tpu.vector_load %arg8[%swap3A_384, %swap3A_385] {strides = array<i32>} : memref<1x2048xf32, #tpu.memory_space<vmem>>, vector<16xf32>,
    tpu.vector_store %arg8[%swap3A_384, %swap3A_385], %broadcast_in_dim3A_3 {strides = array<i32>} : memref<1x2048xf32, #tpu.memory_space<vmem>>, vector<16xf32>,
    %swap3A_387 = arith.constant 0 : i32
    %swap3A_388 = arith.index_cast %swap3A_387 : i32 to index
    %swap3A_389 = arith.constant 1536 : index
    %swap3A_390 = tpu.vector_load %arg8[%swap3A_388, %swap3A_389] {strides = array<i32>} : memref<1x2048xf32, #tpu.memory_space<vmem>>, vector<16xf32>,
    tpu.vector_store %arg8[%swap3A_388, %swap3A_389], %broadcast_in_dim3A_3 {strides = array<i32>} : memref<1x2048xf32, #tpu.memory_space<vmem>>, vector<16xf32>,
    %swap3A_391 = arith.constant 0 : i32
    %swap3A_392 = arith.index_cast %swap3A_391 : i32 to index
    %swap3A_393 = arith.constant 1552 : index
    %swap3A_394 = tpu.vector_load %arg8[%swap3A_392, %swap3A_393] {strides = array<i32>} : memref<1x2048xf32, #tpu.memory_space<vmem>>, vector<16xf32>,
    tpu.vector_store %arg8[%swap3A_392, %swap3A_393], %broadcast_in_dim3A_3 {strides = array<i32>} : memref<1x2048xf32, #tpu.memory_space<vmem>>, vector<16xf32>,
    %swap3A_395 = arith.constant 0 : i32
    %swap3A_396 = arith.index_cast %swap3A_395 : i32 to index
    %swap3A_397 = arith.constant 1568 : index
    %swap3A_398 = tpu.vector_load %arg8[%swap3A_396, %swap3A_397] {strides = array<i32>} : memref<1x2048xf32, #tpu.memory_space<vmem>>, vector<16xf32>,
    tpu.vector_store %arg8[%swap3A_396, %swap3A_397], %broadcast_in_dim3A_3 {strides = array<i32>} : memref<1x2048xf32, #tpu.memory_space<vmem>>, vector<16xf32>,
    %swap3A_399 = arith.constant 0 : i32
    %swap3A_400 = arith.index_cast %swap3A_399 : i32 to index
    %swap3A_401 = arith.constant 1584 : index
    %swap3A_402 = tpu.vector_load %arg8[%swap3A_400, %swap3A_401] {strides = array<i32>} : memref<1x2048xf32, #tpu.memory_space<vmem>>, vector<16xf32>,
    tpu.vector_store %arg8[%swap3A_400, %swap3A_401], %broadcast_in_dim3A_3 {strides = array<i32>} : memref<1x2048xf32, #tpu.memory_space<vmem>>, vector<16xf32>,
    %swap3A_403 = arith.constant 0 : i32
    %swap3A_404 = arith.index_cast %swap3A_403 : i32 to index
    %swap3A_405 = arith.constant 1600 : index
    %swap3A_406 = tpu.vector_load %arg8[%swap3A_404, %swap3A_405] {strides = array<i32>} : memref<1x2048xf32, #tpu.memory_space<vmem>>, vector<16xf32>,
    tpu.vector_store %arg8[%swap3A_404, %swap3A_405], %broadcast_in_dim3A_3 {strides = array<i32>} : memref<1x2048xf32, #tpu.memory_space<vmem>>, vector<16xf32>,
    %swap3A_407 = arith.constant 0 : i32
    %swap3A_408 = arith.index_cast %swap3A_407 : i32 to index
    %swap3A_409 = arith.constant 1616 : index
    %swap3A_410 = tpu.vector_load %arg8[%swap3A_408, %swap3A_409] {strides = array<i32>} : memref<1x2048xf32, #tpu.memory_space<vmem>>, vector<16xf32>,
    tpu.vector_store %arg8[%swap3A_408, %swap3A_409], %broadcast_in_dim3A_3 {strides = array<i32>} : memref<1x2048xf32, #tpu.memory_space<vmem>>, vector<16xf32>,
    %swap3A_411 = arith.constant 0 : i32
    %swap3A_412 = arith.index_cast %swap3A_411 : i32 to index
    %swap3A_413 = arith.constant 1632 : index
    %swap3A_414 = tpu.vector_load %arg8[%swap3A_412, %swap3A_413] {strides = array<i32>} : memref<1x2048xf32, #tpu.memory_space<vmem>>, vector<16xf32>,
    tpu.vector_store %arg8[%swap3A_412, %swap3A_413], %broadcast_in_dim3A_3 {strides = array<i32>} : memref<1x2048xf32, #tpu.memory_space<vmem>>, vector<16xf32>,
    %swap3A_415 = arith.constant 0 : i32
    %swap3A_416 = arith.index_cast %swap3A_415 : i32 to index
    %swap3A_417 = arith.constant 1648 : index
    %swap3A_418 = tpu.vector_load %arg8[%swap3A_416, %swap3A_417] {strides = array<i32>} : memref<1x2048xf32, #tpu.memory_space<vmem>>, vector<16xf32>,
    tpu.vector_store %arg8[%swap3A_416, %swap3A_417], %broadcast_in_dim3A_3 {strides = array<i32>} : memref<1x2048xf32, #tpu.memory_space<vmem>>, vector<16xf32>,
    %swap3A_419 = arith.constant 0 : i32
    %swap3A_420 = arith.index_cast %swap3A_419 : i32 to index
    %swap3A_421 = arith.constant 1664 : index
    %swap3A_422 = tpu.vector_load %arg8[%swap3A_420, %swap3A_421] {strides = array<i32>} : memref<1x2048xf32, #tpu.memory_space<vmem>>, vector<16xf32>,
    tpu.vector_store %arg8[%swap3A_420, %swap3A_421], %broadcast_in_dim3A_3 {strides = array<i32>} : memref<1x2048xf32, #tpu.memory_space<vmem>>, vector<16xf32>,
    %swap3A_423 = arith.constant 0 : i32
    %swap3A_424 = arith.index_cast %swap3A_423 : i32 to index
    %swap3A_425 = arith.constant 1680 : index
    %swap3A_426 = tpu.vector_load %arg8[%swap3A_424, %swap3A_425] {strides = array<i32>} : memref<1x2048xf32, #tpu.memory_space<vmem>>, vector<16xf32>,
    tpu.vector_store %arg8[%swap3A_424, %swap3A_425], %broadcast_in_dim3A_3 {strides = array<i32>} : memref<1x2048xf32, #tpu.memory_space<vmem>>, vector<16xf32>,
    %swap3A_427 = arith.constant 0 : i32
    %swap3A_428 = arith.index_cast %swap3A_427 : i32 to index
    %swap3A_429 = arith.constant 1696 : index
    %swap3A_430 = tpu.vector_load %arg8[%swap3A_428, %swap3A_429] {strides = array<i32>} : memref<1x2048xf32, #tpu.memory_space<vmem>>, vector<16xf32>,
    tpu.vector_store %arg8[%swap3A_428, %swap3A_429], %broadcast_in_dim3A_3 {strides = array<i32>} : memref<1x2048xf32, #tpu.memory_space<vmem>>, vector<16xf32>,
    %swap3A_431 = arith.constant 0 : i32
    %swap3A_432 = arith.index_cast %swap3A_431 : i32 to index
    %swap3A_433 = arith.constant 1712 : index
    %swap3A_434 = tpu.vector_load %arg8[%swap3A_432, %swap3A_433] {strides = array<i32>} : memref<1x2048xf32, #tpu.memory_space<vmem>>, vector<16xf32>,
    tpu.vector_store %arg8[%swap3A_432, %swap3A_433], %broadcast_in_dim3A_3 {strides = array<i32>} : memref<1x2048xf32, #tpu.memory_space<vmem>>, vector<16xf32>,
    %swap3A_435 = arith.constant 0 : i32
    %swap3A_436 = arith.index_cast %swap3A_435 : i32 to index
    %swap3A_437 = arith.constant 1728 : index
    %swap3A_438 = tpu.vector_load %arg8[%swap3A_436, %swap3A_437] {strides = array<i32>} : memref<1x2048xf32, #tpu.memory_space<vmem>>, vector<16xf32>,
    tpu.vector_store %arg8[%swap3A_436, %swap3A_437], %broadcast_in_dim3A_3 {strides = array<i32>} : memref<1x2048xf32, #tpu.memory_space<vmem>>, vector<16xf32>,
    %swap3A_439 = arith.constant 0 : i32
    %swap3A_440 = arith.index_cast %swap3A_439 : i32 to index
    %swap3A_441 = arith.constant 1744 : index
    %swap3A_442 = tpu.vector_load %arg8[%swap3A_440, %swap3A_441] {strides = array<i32>} : memref<1x2048xf32, #tpu.memory_space<vmem>>, vector<16xf32>,
    tpu.vector_store %arg8[%swap3A_440, %swap3A_441], %broadcast_in_dim3A_3 {strides = array<i32>} : memref<1x2048xf32, #tpu.memory_space<vmem>>, vector<16xf32>,
    %swap3A_443 = arith.constant 0 : i32
    %swap3A_444 = arith.index_cast %swap3A_443 : i32 to index
    %swap3A_445 = arith.constant 1760 : index
    %swap3A_446 = tpu.vector_load %arg8[%swap3A_444, %swap3A_445] {strides = array<i32>} : memref<1x2048xf32, #tpu.memory_space<vmem>>, vector<16xf32>,
    tpu.vector_store %arg8[%swap3A_444, %swap3A_445], %broadcast_in_dim3A_3 {strides = array<i32>} : memref<1x2048xf32, #tpu.memory_space<vmem>>, vector<16xf32>,
    %swap3A_447 = arith.constant 0 : i32
    %swap3A_448 = arith.index_cast %swap3A_447 : i32 to index
    %swap3A_449 = arith.constant 1776 : index
    %swap3A_450 = tpu.vector_load %arg8[%swap3A_448, %swap3A_449] {strides = array<i32>} : memref<1x2048xf32, #tpu.memory_space<vmem>>, vector<16xf32>,
    tpu.vector_store %arg8[%swap3A_448, %swap3A_449], %broadcast_in_dim3A_3 {strides = array<i32>} : memref<1x2048xf32, #tpu.memory_space<vmem>>, vector<16xf32>,
    %swap3A_451 = arith.constant 0 : i32
    %swap3A_452 = arith.index_cast %swap3A_451 : i32 to index
    %swap3A_453 = arith.constant 1792 : index
    %swap3A_454 = tpu.vector_load %arg8[%swap3A_452, %swap3A_453] {strides = array<i32>} : memref<1x2048xf32, #tpu.memory_space<vmem>>, vector<16xf32>,
    tpu.vector_store %arg8[%swap3A_452, %swap3A_453], %broadcast_in_dim3A_3 {strides = array<i32>} : memref<1x2048xf32, #tpu.memory_space<vmem>>, vector<16xf32>,
    %swap3A_455 = arith.constant 0 : i32
    %swap3A_456 = arith.index_cast %swap3A_455 : i32 to index
    %swap3A_457 = arith.constant 1808 : index
    %swap3A_458 = tpu.vector_load %arg8[%swap3A_456, %swap3A_457] {strides = array<i32>} : memref<1x2048xf32, #tpu.memory_space<vmem>>, vector<16xf32>,
    tpu.vector_store %arg8[%swap3A_456, %swap3A_457], %broadcast_in_dim3A_3 {strides = array<i32>} : memref<1x2048xf32, #tpu.memory_space<vmem>>, vector<16xf32>,
    %swap3A_459 = arith.constant 0 : i32
    %swap3A_460 = arith.index_cast %swap3A_459 : i32 to index
    %swap3A_461 = arith.constant 1824 : index
    %swap3A_462 = tpu.vector_load %arg8[%swap3A_460, %swap3A_461] {strides = array<i32>} : memref<1x2048xf32, #tpu.memory_space<vmem>>, vector<16xf32>,
    tpu.vector_store %arg8[%swap3A_460, %swap3A_461], %broadcast_in_dim3A_3 {strides = array<i32>} : memref<1x2048xf32, #tpu.memory_space<vmem>>, vector<16xf32>,
    %swap3A_463 = arith.constant 0 : i32
    %swap3A_464 = arith.index_cast %swap3A_463 : i32 to index
    %swap3A_465 = arith.constant 1840 : index
    %swap3A_466 = tpu.vector_load %arg8[%swap3A_464, %swap3A_465] {strides = array<i32>} : memref<1x2048xf32, #tpu.memory_space<vmem>>, vector<16xf32>,
    tpu.vector_store %arg8[%swap3A_464, %swap3A_465], %broadcast_in_dim3A_3 {strides = array<i32>} : memref<1x2048xf32, #tpu.memory_space<vmem>>, vector<16xf32>,
    %swap3A_467 = arith.constant 0 : i32
    %swap3A_468 = arith.index_cast %swap3A_467 : i32 to index
    %swap3A_469 = arith.constant 1856 : index
    %swap3A_470 = tpu.vector_load %arg8[%swap3A_468, %swap3A_469] {strides = array<i32>} : memref<1x2048xf32, #tpu.memory_space<vmem>>, vector<16xf32>,
    tpu.vector_store %arg8[%swap3A_468, %swap3A_469], %broadcast_in_dim3A_3 {strides = array<i32>} : memref<1x2048xf32, #tpu.memory_space<vmem>>, vector<16xf32>,
    %swap3A_471 = arith.constant 0 : i32
    %swap3A_472 = arith.index_cast %swap3A_471 : i32 to index
    %swap3A_473 = arith.constant 1872 : index
    %swap3A_474 = tpu.vector_load %arg8[%swap3A_472, %swap3A_473] {strides = array<i32>} : memref<1x2048xf32, #tpu.memory_space<vmem>>, vector<16xf32>,
    tpu.vector_store %arg8[%swap3A_472, %swap3A_473], %broadcast_in_dim3A_3 {strides = array<i32>} : memref<1x2048xf32, #tpu.memory_space<vmem>>, vector<16xf32>,
    %swap3A_475 = arith.constant 0 : i32
    %swap3A_476 = arith.index_cast %swap3A_475 : i32 to index
    %swap3A_477 = arith.constant 1888 : index
    %swap3A_478 = tpu.vector_load %arg8[%swap3A_476, %swap3A_477] {strides = array<i32>} : memref<1x2048xf32, #tpu.memory_space<vmem>>, vector<16xf32>,
    tpu.vector_store %arg8[%swap3A_476, %swap3A_477], %broadcast_in_dim3A_3 {strides = array<i32>} : memref<1x2048xf32, #tpu.memory_space<vmem>>, vector<16xf32>,
    %swap3A_479 = arith.constant 0 : i32
    %swap3A_480 = arith.index_cast %swap3A_479 : i32 to index
    %swap3A_481 = arith.constant 1904 : index
    %swap3A_482 = tpu.vector_load %arg8[%swap3A_480, %swap3A_481] {strides = array<i32>} : memref<1x2048xf32, #tpu.memory_space<vmem>>, vector<16xf32>,
    tpu.vector_store %arg8[%swap3A_480, %swap3A_481], %broadcast_in_dim3A_3 {strides = array<i32>} : memref<1x2048xf32, #tpu.memory_space<vmem>>, vector<16xf32>,
    %swap3A_483 = arith.constant 0 : i32
    %swap3A_484 = arith.index_cast %swap3A_483 : i32 to index
    %swap3A_485 = arith.constant 1920 : index
    %swap3A_486 = tpu.vector_load %arg8[%swap3A_484, %swap3A_485] {strides = array<i32>} : memref<1x2048xf32, #tpu.memory_space<vmem>>, vector<16xf32>,
    tpu.vector_store %arg8[%swap3A_484, %swap3A_485], %broadcast_in_dim3A_3 {strides = array<i32>} : memref<1x2048xf32, #tpu.memory_space<vmem>>, vector<16xf32>,
    %swap3A_487 = arith.constant 0 : i32
    %swap3A_488 = arith.index_cast %swap3A_487 : i32 to index
    %swap3A_489 = arith.constant 1936 : index
    %swap3A_490 = tpu.vector_load %arg8[%swap3A_488, %swap3A_489] {strides = array<i32>} : memref<1x2048xf32, #tpu.memory_space<vmem>>, vector<16xf32>,
    tpu.vector_store %arg8[%swap3A_488, %swap3A_489], %broadcast_in_dim3A_3 {strides = array<i32>} : memref<1x2048xf32, #tpu.memory_space<vmem>>, vector<16xf32>,
    %swap3A_491 = arith.constant 0 : i32
    %swap3A_492 = arith.index_cast %swap3A_491 : i32 to index
    %swap3A_493 = arith.constant 1952 : index
    %swap3A_494 = tpu.vector_load %arg8[%swap3A_492, %swap3A_493] {strides = array<i32>} : memref<1x2048xf32, #tpu.memory_space<vmem>>, vector<16xf32>,
    tpu.vector_store %arg8[%swap3A_492, %swap3A_493], %broadcast_in_dim3A_3 {strides = array<i32>} : memref<1x2048xf32, #tpu.memory_space<vmem>>, vector<16xf32>,
    %swap3A_495 = arith.constant 0 : i32
    %swap3A_496 = arith.index_cast %swap3A_495 : i32 to index
    %swap3A_497 = arith.constant 1968 : index
    %swap3A_498 = tpu.vector_load %arg8[%swap3A_496, %swap3A_497] {strides = array<i32>} : memref<1x2048xf32, #tpu.memory_space<vmem>>, vector<16xf32>,
    tpu.vector_store %arg8[%swap3A_496, %swap3A_497], %broadcast_in_dim3A_3 {strides = array<i32>} : memref<1x2048xf32, #tpu.memory_space<vmem>>, vector<16xf32>,
    %swap3A_499 = arith.constant 0 : i32
    %swap3A_500 = arith.index_cast %swap3A_499 : i32 to index
    %swap3A_501 = arith.constant 1984 : index
    %swap3A_502 = tpu.vector_load %arg8[%swap3A_500, %swap3A_501] {strides = array<i32>} : memref<1x2048xf32, #tpu.memory_space<vmem>>, vector<16xf32>,
    tpu.vector_store %arg8[%swap3A_500, %swap3A_501], %broadcast_in_dim3A_3 {strides = array<i32>} : memref<1x2048xf32, #tpu.memory_space<vmem>>, vector<16xf32>,
    %swap3A_503 = arith.constant 0 : i32
    %swap3A_504 = arith.index_cast %swap3A_503 : i32 to index
    %swap3A_505 = arith.constant 2000 : index
    %swap3A_506 = tpu.vector_load %arg8[%swap3A_504, %swap3A_505] {strides = array<i32>} : memref<1x2048xf32, #tpu.memory_space<vmem>>, vector<16xf32>,
    tpu.vector_store %arg8[%swap3A_504, %swap3A_505], %broadcast_in_dim3A_3 {strides = array<i32>} : memref<1x2048xf32, #tpu.memory_space<vmem>>, vector<16xf32>,
    %swap3A_507 = arith.constant 0 : i32
    %swap3A_508 = arith.index_cast %swap3A_507 : i32 to index
    %swap3A_509 = arith.constant 2016 : index
    %swap3A_510 = tpu.vector_load %arg8[%swap3A_508, %swap3A_509] {strides = array<i32>} : memref<1x2048xf32, #tpu.memory_space<vmem>>, vector<16xf32>,
    tpu.vector_store %arg8[%swap3A_508, %swap3A_509], %broadcast_in_dim3A_3 {strides = array<i32>} : memref<1x2048xf32, #tpu.memory_space<vmem>>, vector<16xf32>,
    %swap3A_511 = arith.constant 0 : i32
    %swap3A_512 = arith.index_cast %swap3A_511 : i32 to index
    %swap3A_513 = arith.constant 2032 : index
    %swap3A_514 = tpu.vector_load %arg8[%swap3A_512, %swap3A_513] {strides = array<i32>} : memref<1x2048xf32, #tpu.memory_space<vmem>>, vector<16xf32>,
    tpu.vector_store %arg8[%swap3A_512, %swap3A_513], %broadcast_in_dim3A_3 {strides = array<i32>} : memref<1x2048xf32, #tpu.memory_space<vmem>>, vector<16xf32>,
    %eq3A = arith.constant 0 : i32
    %eq3A_515 = arith.cmpi eq, %arg1, %eq3A : i32
    %convert_element_type3A = arith.extui %eq3A_515 : i1 to i32
    %cond3A = arith.constant 0 : i32
    %cond3A_516 = arith.cmpi ne, %convert_element_type3A, %cond3A : i32
    scf.if %cond3A_516 {
      "tpu.region"() ({
        %run_scoped3A = tpu.sem_alloc : memref<!tpu.dma_semaphore, #tpu.memory_space<semaphore_mem>>
        tpu.enqueue_dma source(%arg8 : memref<1x2048xf32, #tpu.memory_space<vmem>>) target(%arg11 : memref<1x2048xf32, #tpu.memory_space<vmem_shared>>) target_semaphore(%run_scoped3A : memref<!tpu.dma_semaphore, #tpu.memory_space<semaphore_mem>>)
        tpu.wait_dma2 semaphore(%run_scoped3A : memref<!tpu.dma_semaphore, #tpu.memory_space<semaphore_mem>>) src(%arg8 : memref<1x2048xf32, #tpu.memory_space<vmem>>) dst(%arg11 : memref<1x2048xf32, #tpu.memory_space<vmem_shared>>)
        tpu.yield
      }) : () -> ()
    } else {
    }
    %barrier3A = arith.constant 0 : index
    tpu.barrier barrier_id(%barrier3A)
    %broadcast_in_dim3A_517 = arith.constant 0 : i32
    %broadcast_in_dim3A_518 = vector.broadcast %broadcast_in_dim3A_517 : i32 to vector<16xi32>
    %iota3A = tpu.iota {dimensions = array<i32: 0>} : vector<16xi32>
    %add3A_519 = arith.constant 0 : i32
    %add3A_520 = vector.broadcast %add3A_519 : i32 to vector<16xi32>
    %add3A_521 = arith.addi %iota3A, %add3A_520 : vector<16xi32>
    %add3A_522 = arith.constant 16 : i32
    %add3A_523 = vector.broadcast %add3A_522 : i32 to vector<16xi32>
    %add3A_524 = arith.addi %iota3A, %add3A_523 : vector<16xi32>
    %add3A_525 = arith.constant 32 : i32
    %add3A_526 = vector.broadcast %add3A_525 : i32 to vector<16xi32>
    %add3A_527 = arith.addi %iota3A, %add3A_526 : vector<16xi32>
    %add3A_528 = arith.constant 48 : i32
    %add3A_529 = vector.broadcast %add3A_528 : i32 to vector<16xi32>
    %add3A_530 = arith.addi %iota3A, %add3A_529 : vector<16xi32>
    %add3A_531 = arith.constant 64 : i32
    %add3A_532 = vector.broadcast %add3A_531 : i32 to vector<16xi32>
    %add3A_533 = arith.addi %iota3A, %add3A_532 : vector<16xi32>
    %add3A_534 = arith.constant 80 : i32
    %add3A_535 = vector.broadcast %add3A_534 : i32 to vector<16xi32>
    %add3A_536 = arith.addi %iota3A, %add3A_535 : vector<16xi32>
    %add3A_537 = arith.constant 96 : i32
    %add3A_538 = vector.broadcast %add3A_537 : i32 to vector<16xi32>
    %add3A_539 = arith.addi %iota3A, %add3A_538 : vector<16xi32>
    %add3A_540 = arith.constant 112 : i32
    %add3A_541 = vector.broadcast %add3A_540 : i32 to vector<16xi32>
    %add3A_542 = arith.addi %iota3A, %add3A_541 : vector<16xi32>
    %get3A = arith.constant 0 : index
    %get3A_543 = tpu.vector_load %arg6[%get3A] {strides = array<i32>} : memref<16xi32, #tpu.memory_space<vmem>>, vector<16xi32>,
    %broadcast_in_dim3A_544 = arith.constant 0.000000e+00 : f32
    %broadcast_in_dim3A_545 = vector.broadcast %broadcast_in_dim3A_544 : f32 to vector<16xf32>
    %scan3A = arith.constant 0 : i32
    %scan3A_546 = arith.constant 0 : i32
    %scan3A_547 = arith.constant 16 : i32
    %scan3A_548 = arith.addi %scan3A_546, %scan3A_547 : i32
    %scan3A_549 = arith.constant 1 : i32
    scf.for %scan3A_557 = %scan3A_546 to %scan3A_548 step %scan3A_549  : i32 {
      %mul3A_558 = arith.constant 64 : i32
      %mul3A_559 = arith.muli %scan3A_557, %mul3A_558 : i32
      %add3A_560 = arith.addi %mul3A_2, %mul3A_559 : i32
      "tpu.region"() ({
        %run_scoped3A = tpu.sem_alloc : memref<!tpu.dma_semaphore, #tpu.memory_space<semaphore_mem>>
        %dma_start3A = arith.constant 0 : i32
        %dma_start3A_591 = tpu.memref_slice %arg2[%add3A_560, %dma_start3A] : memref<32768x128xf32, #tpu.memory_space<hbm>> -> memref<64x128xf32, #tpu.memory_space<hbm>>
        %dma_start3A_592 = arith.constant 0 : i32
        %dma_start3A_593 = tpu.memref_slice %arg2[%add3A_560, %dma_start3A_592] : memref<32768x128xf32, #tpu.memory_space<hbm>> -> memref<64x128xf32, #tpu.memory_space<hbm>>
        tpu.enqueue_dma source(%dma_start3A_593 : memref<64x128xf32, #tpu.memory_space<hbm>>) target(%arg7 : memref<64x128xf32, #tpu.memory_space<vmem>>) target_semaphore(%run_scoped3A : memref<!tpu.dma_semaphore, #tpu.memory_space<semaphore_mem>>)
        %dma_wait3A = arith.constant 0 : i32
        %dma_wait3A_594 = tpu.memref_slice %arg2[%add3A_560, %dma_wait3A] : memref<32768x128xf32, #tpu.memory_space<hbm>> -> memref<64x128xf32, #tpu.memory_space<hbm>>
        %dma_wait3A_595 = arith.constant 0 : i32
        %dma_wait3A_596 = tpu.memref_slice %arg2[%add3A_560, %dma_wait3A_595] : memref<32768x128xf32, #tpu.memory_space<hbm>> -> memref<64x128xf32, #tpu.memory_space<hbm>>
        tpu.wait_dma2 semaphore(%run_scoped3A : memref<!tpu.dma_semaphore, #tpu.memory_space<semaphore_mem>>) src(%dma_wait3A_596 : memref<64x128xf32, #tpu.memory_space<hbm>>) dst(%arg7 : memref<64x128xf32, #tpu.memory_space<vmem>>)
        tpu.yield
      }) : () -> ()
      %broadcast_in_dim3A_561 = vector.broadcast %add3A_560 : i32 to vector<16xi32>
      %le3A = arith.cmpi sle, %get3A_543, %broadcast_in_dim3A_561 : vector<16xi32>
      %jit3A = arith.constant 1 : i32
      %jit3A_562 = arith.constant 0 : i32
      %broadcast_in_dim3A_563 = vector.broadcast %jit3A : i32 to vector<16xi32>
      %broadcast_in_dim3A_564 = vector.broadcast %jit3A_562 : i32 to vector<16xi32>
      %select_n3A = arith.select %le3A, %broadcast_in_dim3A_563, %broadcast_in_dim3A_564 : vector<16xi1>, vector<16xi32>
      %reduce_sum3A = arith.constant true
      %reduce_sum3A_565 = vector.broadcast %reduce_sum3A : i1 to vector<16xi1>
      %reduce_sum3A_566 = tpu.scan <sum>, %select_n3A masked %reduce_sum3A_565 : vector<16xi32>, vector<16xi1> -> vector<16xi32>
      %reduce_sum3A_567 = vector.extract %reduce_sum3A_566[15] : i32 from vector<16xi32>
      %add3A_568 = arith.constant 63 : i32
      %add3A_569 = arith.addi %add3A_560, %add3A_568 : i32
      %broadcast_in_dim3A_570 = vector.broadcast %add3A_569 : i32 to vector<16xi32>
      %le3A_571 = arith.cmpi sle, %get3A_543, %broadcast_in_dim3A_570 : vector<16xi32>
      %jit3A_572 = arith.constant 1 : i32
      %jit3A_573 = arith.constant 0 : i32
      %broadcast_in_dim3A_574 = vector.broadcast %jit3A_572 : i32 to vector<16xi32>
      %broadcast_in_dim3A_575 = vector.broadcast %jit3A_573 : i32 to vector<16xi32>
      %select_n3A_576 = arith.select %le3A_571, %broadcast_in_dim3A_574, %broadcast_in_dim3A_575 : vector<16xi1>, vector<16xi32>
      %reduce_sum3A_577 = arith.constant true
      %reduce_sum3A_578 = vector.broadcast %reduce_sum3A_577 : i1 to vector<16xi1>
      %reduce_sum3A_579 = tpu.scan <sum>, %select_n3A_576 masked %reduce_sum3A_578 : vector<16xi32>, vector<16xi1> -> vector<16xi32>
      %reduce_sum3A_580 = vector.extract %reduce_sum3A_579[15] : i32 from vector<16xi32>
      %add3A_581 = arith.constant 1 : i32
      %add3A_582 = arith.addi %reduce_sum3A_580, %add3A_581 : i32
      %while3A = arith.constant 0 : i32
      %while3A_583 = arith.subi %add3A_582, %reduce_sum3A_567 : i32
      %while3A_584 = arith.addi %reduce_sum3A_567, %while3A_583 : i32
      %while3A_585 = arith.constant 1 : i32
      %while3A_586 = arith.divsi %while3A_583, %while3A_585 : i32
      %while3A_587 = arith.muli %while3A_586, %while3A_585 : i32
      %while3A_588 = arith.addi %reduce_sum3A_567, %while3A_587 : i32
      %while3A_589 = arith.constant 1 : i32
      scf.for %while3A_591 = %reduce_sum3A_567 to %while3A_588 step %while3A_589  : i32 {
        %sub3A = arith.constant 1 : i32
        %sub3A_592 = arith.subi %while3A_591, %sub3A : i32
        %eq3A_593 = vector.broadcast %sub3A_592 : i32 to vector<16xi32>
        %eq3A_594 = arith.cmpi eq, %iota3A, %eq3A_593 : vector<16xi32>
        %jit3A_595 = arith.constant 0 : i32
        %broadcast_in_dim3A_596 = vector.broadcast %jit3A_595 : i32 to vector<16xi32>
        %select_n3A_597 = arith.select %eq3A_594, %get3A_543, %broadcast_in_dim3A_596 : vector<16xi1>, vector<16xi32>
        %reduce_sum3A_598 = arith.constant true
        %reduce_sum3A_599 = vector.broadcast %reduce_sum3A_598 : i1 to vector<16xi1>
        %reduce_sum3A_600 = tpu.scan <sum>, %select_n3A_597 masked %reduce_sum3A_599 : vector<16xi32>, vector<16xi1> -> vector<16xi32>
        %reduce_sum3A_601 = vector.extract %reduce_sum3A_600[15] : i32 from vector<16xi32>
        %eq3A_602 = vector.broadcast %while3A_591 : i32 to vector<16xi32>
        %eq3A_603 = arith.cmpi eq, %iota3A, %eq3A_602 : vector<16xi32>
        %jit3A_604 = arith.constant 0 : i32
        %broadcast_in_dim3A_605 = vector.broadcast %jit3A_604 : i32 to vector<16xi32>
        %select_n3A_606 = arith.select %eq3A_603, %get3A_543, %broadcast_in_dim3A_605 : vector<16xi1>, vector<16xi32>
        %reduce_sum3A_607 = arith.constant true
        %reduce_sum3A_608 = vector.broadcast %reduce_sum3A_607 : i1 to vector<16xi1>
        %reduce_sum3A_609 = tpu.scan <sum>, %select_n3A_606 masked %reduce_sum3A_608 : vector<16xi32>, vector<16xi1> -> vector<16xi32>
        %reduce_sum3A_610 = vector.extract %reduce_sum3A_609[15] : i32 from vector<16xi32>
        %max3A = arith.maxsi %add3A_560, %reduce_sum3A_601 : i32
        %add3A_611 = arith.constant 64 : i32
        %add3A_612 = arith.addi %add3A_560, %add3A_611 : i32
        %min3A = arith.minsi %add3A_612, %reduce_sum3A_610 : i32
        %while3A_613 = arith.subi %min3A, %max3A : i32
        %while3A_614 = arith.addi %max3A, %while3A_613 : i32
        %while3A_615 = arith.constant 1 : i32
        %while3A_616 = arith.divsi %while3A_613, %while3A_615 : i32
        %while3A_617 = arith.muli %while3A_616, %while3A_615 : i32
        %while3A_618 = arith.addi %max3A, %while3A_617 : i32
        %while3A_619 = arith.constant 1 : i32
        %while3A_620:8 = scf.for %while3A_634 = %max3A to %while3A_618 step %while3A_619 iter_args(%while3A_635 = %broadcast_in_dim3A_545, %while3A_636 = %broadcast_in_dim3A_545, %while3A_637 = %broadcast_in_dim3A_545, %while3A_638 = %broadcast_in_dim3A_545, %while3A_639 = %broadcast_in_dim3A_545, %while3A_640 = %broadcast_in_dim3A_545, %while3A_641 = %broadcast_in_dim3A_545, %while3A_642 = %broadcast_in_dim3A_545) -> (vector<16xf32>, vector<16xf32>, vector<16xf32>, vector<16xf32>, vector<16xf32>, vector<16xf32>, vector<16xf32>, vector<16xf32>)  : i32 {
          %sub3A_643 = arith.subi %while3A_634, %add3A_560 : i32
          %broadcast_in_dim3A_644 = vector.broadcast %sub3A_643 : i32 to vector<16xi32>
          %gather3A = tpu.vector_load_idx %arg7[%broadcast_in_dim3A_644, %add3A_521] : memref<64x128xf32, #tpu.memory_space<vmem>>[vector<16xi32>, vector<16xi32>], vector<16xf32>,
          %add3A_645 = arith.addf %while3A_635, %gather3A : vector<16xf32>
          %gather3A_646 = tpu.vector_load_idx %arg7[%broadcast_in_dim3A_644, %add3A_524] : memref<64x128xf32, #tpu.memory_space<vmem>>[vector<16xi32>, vector<16xi32>], vector<16xf32>,
          %add3A_647 = arith.addf %while3A_636, %gather3A_646 : vector<16xf32>
          %gather3A_648 = tpu.vector_load_idx %arg7[%broadcast_in_dim3A_644, %add3A_527] : memref<64x128xf32, #tpu.memory_space<vmem>>[vector<16xi32>, vector<16xi32>], vector<16xf32>,
          %add3A_649 = arith.addf %while3A_637, %gather3A_648 : vector<16xf32>
          %gather3A_650 = tpu.vector_load_idx %arg7[%broadcast_in_dim3A_644, %add3A_530] : memref<64x128xf32, #tpu.memory_space<vmem>>[vector<16xi32>, vector<16xi32>], vector<16xf32>,
          %add3A_651 = arith.addf %while3A_638, %gather3A_650 : vector<16xf32>
          %gather3A_652 = tpu.vector_load_idx %arg7[%broadcast_in_dim3A_644, %add3A_533] : memref<64x128xf32, #tpu.memory_space<vmem>>[vector<16xi32>, vector<16xi32>], vector<16xf32>,
          %add3A_653 = arith.addf %while3A_639, %gather3A_652 : vector<16xf32>
          %gather3A_654 = tpu.vector_load_idx %arg7[%broadcast_in_dim3A_644, %add3A_536] : memref<64x128xf32, #tpu.memory_space<vmem>>[vector<16xi32>, vector<16xi32>], vector<16xf32>,
          %add3A_655 = arith.addf %while3A_640, %gather3A_654 : vector<16xf32>
          %gather3A_656 = tpu.vector_load_idx %arg7[%broadcast_in_dim3A_644, %add3A_539] : memref<64x128xf32, #tpu.memory_space<vmem>>[vector<16xi32>, vector<16xi32>], vector<16xf32>,
          %add3A_657 = arith.addf %while3A_641, %gather3A_656 : vector<16xf32>
          %gather3A_658 = tpu.vector_load_idx %arg7[%broadcast_in_dim3A_644, %add3A_542] : memref<64x128xf32, #tpu.memory_space<vmem>>[vector<16xi32>, vector<16xi32>], vector<16xf32>,
          %add3A_659 = arith.addf %while3A_642, %gather3A_658 : vector<16xf32>
          scf.yield %add3A_645, %add3A_647, %add3A_649, %add3A_651, %add3A_653, %add3A_655, %add3A_657, %add3A_659 : vector<16xf32>, vector<16xf32>, vector<16xf32>, vector<16xf32>, vector<16xf32>, vector<16xf32>, vector<16xf32>, vector<16xf32>
        }
        %while3A_621 = arith.constant 1 : i32
        %while3A_622:8 = scf.for %while3A_634 = %while3A_618 to %while3A_614 step %while3A_621 iter_args(%while3A_635 = %while3A_620#0, %while3A_636 = %while3A_620#1, %while3A_637 = %while3A_620#2, %while3A_638 = %while3A_620#3, %while3A_639 = %while3A_620#4, %while3A_640 = %while3A_620#5, %while3A_641 = %while3A_620#6, %while3A_642 = %while3A_620#7) -> (vector<16xf32>, vector<16xf32>, vector<16xf32>, vector<16xf32>, vector<16xf32>, vector<16xf32>, vector<16xf32>, vector<16xf32>)  : i32 {
          %sub3A_643 = arith.subi %while3A_634, %add3A_560 : i32
          %broadcast_in_dim3A_644 = vector.broadcast %sub3A_643 : i32 to vector<16xi32>
          %gather3A = tpu.vector_load_idx %arg7[%broadcast_in_dim3A_644, %add3A_521] : memref<64x128xf32, #tpu.memory_space<vmem>>[vector<16xi32>, vector<16xi32>], vector<16xf32>,
          %add3A_645 = arith.addf %while3A_635, %gather3A : vector<16xf32>
          %gather3A_646 = tpu.vector_load_idx %arg7[%broadcast_in_dim3A_644, %add3A_524] : memref<64x128xf32, #tpu.memory_space<vmem>>[vector<16xi32>, vector<16xi32>], vector<16xf32>,
          %add3A_647 = arith.addf %while3A_636, %gather3A_646 : vector<16xf32>
          %gather3A_648 = tpu.vector_load_idx %arg7[%broadcast_in_dim3A_644, %add3A_527] : memref<64x128xf32, #tpu.memory_space<vmem>>[vector<16xi32>, vector<16xi32>], vector<16xf32>,
          %add3A_649 = arith.addf %while3A_637, %gather3A_648 : vector<16xf32>
          %gather3A_650 = tpu.vector_load_idx %arg7[%broadcast_in_dim3A_644, %add3A_530] : memref<64x128xf32, #tpu.memory_space<vmem>>[vector<16xi32>, vector<16xi32>], vector<16xf32>,
          %add3A_651 = arith.addf %while3A_638, %gather3A_650 : vector<16xf32>
          %gather3A_652 = tpu.vector_load_idx %arg7[%broadcast_in_dim3A_644, %add3A_533] : memref<64x128xf32, #tpu.memory_space<vmem>>[vector<16xi32>, vector<16xi32>], vector<16xf32>,
          %add3A_653 = arith.addf %while3A_639, %gather3A_652 : vector<16xf32>
          %gather3A_654 = tpu.vector_load_idx %arg7[%broadcast_in_dim3A_644, %add3A_536] : memref<64x128xf32, #tpu.memory_space<vmem>>[vector<16xi32>, vector<16xi32>], vector<16xf32>,
          %add3A_655 = arith.addf %while3A_640, %gather3A_654 : vector<16xf32>
          %gather3A_656 = tpu.vector_load_idx %arg7[%broadcast_in_dim3A_644, %add3A_539] : memref<64x128xf32, #tpu.memory_space<vmem>>[vector<16xi32>, vector<16xi32>], vector<16xf32>,
          %add3A_657 = arith.addf %while3A_641, %gather3A_656 : vector<16xf32>
          %gather3A_658 = tpu.vector_load_idx %arg7[%broadcast_in_dim3A_644, %add3A_542] : memref<64x128xf32, #tpu.memory_space<vmem>>[vector<16xi32>, vector<16xi32>], vector<16xf32>,
          %add3A_659 = arith.addf %while3A_642, %gather3A_658 : vector<16xf32>
          scf.yield %add3A_645, %add3A_647, %add3A_649, %add3A_651, %add3A_653, %add3A_655, %add3A_657, %add3A_659 : vector<16xf32>, vector<16xf32>, vector<16xf32>, vector<16xf32>, vector<16xf32>, vector<16xf32>, vector<16xf32>, vector<16xf32>
        }
        %mul3A_623 = arith.constant 128 : i32
        %mul3A_624 = arith.muli %while3A_591, %mul3A_623 : i32
        %broadcast_in_dim3A_625 = vector.broadcast %mul3A_624 : i32 to vector<16xi32>
        %add3A_626 = arith.addi %broadcast_in_dim3A_625, %add3A_521 : vector<16xi32>
        tpu.vector_store_idx %arg8[%broadcast_in_dim3A_518, %add3A_626], %while3A_622#0 {add = true} : memref<1x2048xf32, #tpu.memory_space<vmem>>[vector<16xi32>, vector<16xi32>], vector<16xf32>,
        %add3A_627 = arith.addi %broadcast_in_dim3A_625, %add3A_524 : vector<16xi32>
        tpu.vector_store_idx %arg8[%broadcast_in_dim3A_518, %add3A_627], %while3A_622#1 {add = true} : memref<1x2048xf32, #tpu.memory_space<vmem>>[vector<16xi32>, vector<16xi32>], vector<16xf32>,
        %add3A_628 = arith.addi %broadcast_in_dim3A_625, %add3A_527 : vector<16xi32>
        tpu.vector_store_idx %arg8[%broadcast_in_dim3A_518, %add3A_628], %while3A_622#2 {add = true} : memref<1x2048xf32, #tpu.memory_space<vmem>>[vector<16xi32>, vector<16xi32>], vector<16xf32>,
        %add3A_629 = arith.addi %broadcast_in_dim3A_625, %add3A_530 : vector<16xi32>
        tpu.vector_store_idx %arg8[%broadcast_in_dim3A_518, %add3A_629], %while3A_622#3 {add = true} : memref<1x2048xf32, #tpu.memory_space<vmem>>[vector<16xi32>, vector<16xi32>], vector<16xf32>,
        %add3A_630 = arith.addi %broadcast_in_dim3A_625, %add3A_533 : vector<16xi32>
        tpu.vector_store_idx %arg8[%broadcast_in_dim3A_518, %add3A_630], %while3A_622#4 {add = true} : memref<1x2048xf32, #tpu.memory_space<vmem>>[vector<16xi32>, vector<16xi32>], vector<16xf32>,
        %add3A_631 = arith.addi %broadcast_in_dim3A_625, %add3A_536 : vector<16xi32>
        tpu.vector_store_idx %arg8[%broadcast_in_dim3A_518, %add3A_631], %while3A_622#5 {add = true} : memref<1x2048xf32, #tpu.memory_space<vmem>>[vector<16xi32>, vector<16xi32>], vector<16xf32>,
        %add3A_632 = arith.addi %broadcast_in_dim3A_625, %add3A_539 : vector<16xi32>
        tpu.vector_store_idx %arg8[%broadcast_in_dim3A_518, %add3A_632], %while3A_622#6 {add = true} : memref<1x2048xf32, #tpu.memory_space<vmem>>[vector<16xi32>, vector<16xi32>], vector<16xf32>,
        %add3A_633 = arith.addi %broadcast_in_dim3A_625, %add3A_542 : vector<16xi32>
        tpu.vector_store_idx %arg8[%broadcast_in_dim3A_518, %add3A_633], %while3A_622#7 {add = true} : memref<1x2048xf32, #tpu.memory_space<vmem>>[vector<16xi32>, vector<16xi32>], vector<16xf32>,
      }
      %while3A_590 = arith.constant 1 : i32
      scf.for %while3A_591 = %while3A_588 to %while3A_584 step %while3A_590  : i32 {
        %sub3A = arith.constant 1 : i32
        %sub3A_592 = arith.subi %while3A_591, %sub3A : i32
        %eq3A_593 = vector.broadcast %sub3A_592 : i32 to vector<16xi32>
        %eq3A_594 = arith.cmpi eq, %iota3A, %eq3A_593 : vector<16xi32>
        %jit3A_595 = arith.constant 0 : i32
        %broadcast_in_dim3A_596 = vector.broadcast %jit3A_595 : i32 to vector<16xi32>
        %select_n3A_597 = arith.select %eq3A_594, %get3A_543, %broadcast_in_dim3A_596 : vector<16xi1>, vector<16xi32>
        %reduce_sum3A_598 = arith.constant true
        %reduce_sum3A_599 = vector.broadcast %reduce_sum3A_598 : i1 to vector<16xi1>
        %reduce_sum3A_600 = tpu.scan <sum>, %select_n3A_597 masked %reduce_sum3A_599 : vector<16xi32>, vector<16xi1> -> vector<16xi32>
        %reduce_sum3A_601 = vector.extract %reduce_sum3A_600[15] : i32 from vector<16xi32>
        %eq3A_602 = vector.broadcast %while3A_591 : i32 to vector<16xi32>
        %eq3A_603 = arith.cmpi eq, %iota3A, %eq3A_602 : vector<16xi32>
        %jit3A_604 = arith.constant 0 : i32
        %broadcast_in_dim3A_605 = vector.broadcast %jit3A_604 : i32 to vector<16xi32>
        %select_n3A_606 = arith.select %eq3A_603, %get3A_543, %broadcast_in_dim3A_605 : vector<16xi1>, vector<16xi32>
        %reduce_sum3A_607 = arith.constant true
        %reduce_sum3A_608 = vector.broadcast %reduce_sum3A_607 : i1 to vector<16xi1>
        %reduce_sum3A_609 = tpu.scan <sum>, %select_n3A_606 masked %reduce_sum3A_608 : vector<16xi32>, vector<16xi1> -> vector<16xi32>
        %reduce_sum3A_610 = vector.extract %reduce_sum3A_609[15] : i32 from vector<16xi32>
        %max3A = arith.maxsi %add3A_560, %reduce_sum3A_601 : i32
        %add3A_611 = arith.constant 64 : i32
        %add3A_612 = arith.addi %add3A_560, %add3A_611 : i32
        %min3A = arith.minsi %add3A_612, %reduce_sum3A_610 : i32
        %while3A_613 = arith.subi %min3A, %max3A : i32
        %while3A_614 = arith.addi %max3A, %while3A_613 : i32
        %while3A_615 = arith.constant 1 : i32
        %while3A_616 = arith.divsi %while3A_613, %while3A_615 : i32
        %while3A_617 = arith.muli %while3A_616, %while3A_615 : i32
        %while3A_618 = arith.addi %max3A, %while3A_617 : i32
        %while3A_619 = arith.constant 1 : i32
        %while3A_620:8 = scf.for %while3A_634 = %max3A to %while3A_618 step %while3A_619 iter_args(%while3A_635 = %broadcast_in_dim3A_545, %while3A_636 = %broadcast_in_dim3A_545, %while3A_637 = %broadcast_in_dim3A_545, %while3A_638 = %broadcast_in_dim3A_545, %while3A_639 = %broadcast_in_dim3A_545, %while3A_640 = %broadcast_in_dim3A_545, %while3A_641 = %broadcast_in_dim3A_545, %while3A_642 = %broadcast_in_dim3A_545) -> (vector<16xf32>, vector<16xf32>, vector<16xf32>, vector<16xf32>, vector<16xf32>, vector<16xf32>, vector<16xf32>, vector<16xf32>)  : i32 {
          %sub3A_643 = arith.subi %while3A_634, %add3A_560 : i32
          %broadcast_in_dim3A_644 = vector.broadcast %sub3A_643 : i32 to vector<16xi32>
          %gather3A = tpu.vector_load_idx %arg7[%broadcast_in_dim3A_644, %add3A_521] : memref<64x128xf32, #tpu.memory_space<vmem>>[vector<16xi32>, vector<16xi32>], vector<16xf32>,
          %add3A_645 = arith.addf %while3A_635, %gather3A : vector<16xf32>
          %gather3A_646 = tpu.vector_load_idx %arg7[%broadcast_in_dim3A_644, %add3A_524] : memref<64x128xf32, #tpu.memory_space<vmem>>[vector<16xi32>, vector<16xi32>], vector<16xf32>,
          %add3A_647 = arith.addf %while3A_636, %gather3A_646 : vector<16xf32>
          %gather3A_648 = tpu.vector_load_idx %arg7[%broadcast_in_dim3A_644, %add3A_527] : memref<64x128xf32, #tpu.memory_space<vmem>>[vector<16xi32>, vector<16xi32>], vector<16xf32>,
          %add3A_649 = arith.addf %while3A_637, %gather3A_648 : vector<16xf32>
          %gather3A_650 = tpu.vector_load_idx %arg7[%broadcast_in_dim3A_644, %add3A_530] : memref<64x128xf32, #tpu.memory_space<vmem>>[vector<16xi32>, vector<16xi32>], vector<16xf32>,
          %add3A_651 = arith.addf %while3A_638, %gather3A_650 : vector<16xf32>
          %gather3A_652 = tpu.vector_load_idx %arg7[%broadcast_in_dim3A_644, %add3A_533] : memref<64x128xf32, #tpu.memory_space<vmem>>[vector<16xi32>, vector<16xi32>], vector<16xf32>,
          %add3A_653 = arith.addf %while3A_639, %gather3A_652 : vector<16xf32>
          %gather3A_654 = tpu.vector_load_idx %arg7[%broadcast_in_dim3A_644, %add3A_536] : memref<64x128xf32, #tpu.memory_space<vmem>>[vector<16xi32>, vector<16xi32>], vector<16xf32>,
          %add3A_655 = arith.addf %while3A_640, %gather3A_654 : vector<16xf32>
          %gather3A_656 = tpu.vector_load_idx %arg7[%broadcast_in_dim3A_644, %add3A_539] : memref<64x128xf32, #tpu.memory_space<vmem>>[vector<16xi32>, vector<16xi32>], vector<16xf32>,
          %add3A_657 = arith.addf %while3A_641, %gather3A_656 : vector<16xf32>
          %gather3A_658 = tpu.vector_load_idx %arg7[%broadcast_in_dim3A_644, %add3A_542] : memref<64x128xf32, #tpu.memory_space<vmem>>[vector<16xi32>, vector<16xi32>], vector<16xf32>,
          %add3A_659 = arith.addf %while3A_642, %gather3A_658 : vector<16xf32>
          scf.yield %add3A_645, %add3A_647, %add3A_649, %add3A_651, %add3A_653, %add3A_655, %add3A_657, %add3A_659 : vector<16xf32>, vector<16xf32>, vector<16xf32>, vector<16xf32>, vector<16xf32>, vector<16xf32>, vector<16xf32>, vector<16xf32>
        }
        %while3A_621 = arith.constant 1 : i32
        %while3A_622:8 = scf.for %while3A_634 = %while3A_618 to %while3A_614 step %while3A_621 iter_args(%while3A_635 = %while3A_620#0, %while3A_636 = %while3A_620#1, %while3A_637 = %while3A_620#2, %while3A_638 = %while3A_620#3, %while3A_639 = %while3A_620#4, %while3A_640 = %while3A_620#5, %while3A_641 = %while3A_620#6, %while3A_642 = %while3A_620#7) -> (vector<16xf32>, vector<16xf32>, vector<16xf32>, vector<16xf32>, vector<16xf32>, vector<16xf32>, vector<16xf32>, vector<16xf32>)  : i32 {
          %sub3A_643 = arith.subi %while3A_634, %add3A_560 : i32
          %broadcast_in_dim3A_644 = vector.broadcast %sub3A_643 : i32 to vector<16xi32>
          %gather3A = tpu.vector_load_idx %arg7[%broadcast_in_dim3A_644, %add3A_521] : memref<64x128xf32, #tpu.memory_space<vmem>>[vector<16xi32>, vector<16xi32>], vector<16xf32>,
          %add3A_645 = arith.addf %while3A_635, %gather3A : vector<16xf32>
          %gather3A_646 = tpu.vector_load_idx %arg7[%broadcast_in_dim3A_644, %add3A_524] : memref<64x128xf32, #tpu.memory_space<vmem>>[vector<16xi32>, vector<16xi32>], vector<16xf32>,
          %add3A_647 = arith.addf %while3A_636, %gather3A_646 : vector<16xf32>
          %gather3A_648 = tpu.vector_load_idx %arg7[%broadcast_in_dim3A_644, %add3A_527] : memref<64x128xf32, #tpu.memory_space<vmem>>[vector<16xi32>, vector<16xi32>], vector<16xf32>,
          %add3A_649 = arith.addf %while3A_637, %gather3A_648 : vector<16xf32>
          %gather3A_650 = tpu.vector_load_idx %arg7[%broadcast_in_dim3A_644, %add3A_530] : memref<64x128xf32, #tpu.memory_space<vmem>>[vector<16xi32>, vector<16xi32>], vector<16xf32>,
          %add3A_651 = arith.addf %while3A_638, %gather3A_650 : vector<16xf32>
          %gather3A_652 = tpu.vector_load_idx %arg7[%broadcast_in_dim3A_644, %add3A_533] : memref<64x128xf32, #tpu.memory_space<vmem>>[vector<16xi32>, vector<16xi32>], vector<16xf32>,
          %add3A_653 = arith.addf %while3A_639, %gather3A_652 : vector<16xf32>
          %gather3A_654 = tpu.vector_load_idx %arg7[%broadcast_in_dim3A_644, %add3A_536] : memref<64x128xf32, #tpu.memory_space<vmem>>[vector<16xi32>, vector<16xi32>], vector<16xf32>,
          %add3A_655 = arith.addf %while3A_640, %gather3A_654 : vector<16xf32>
          %gather3A_656 = tpu.vector_load_idx %arg7[%broadcast_in_dim3A_644, %add3A_539] : memref<64x128xf32, #tpu.memory_space<vmem>>[vector<16xi32>, vector<16xi32>], vector<16xf32>,
          %add3A_657 = arith.addf %while3A_641, %gather3A_656 : vector<16xf32>
          %gather3A_658 = tpu.vector_load_idx %arg7[%broadcast_in_dim3A_644, %add3A_542] : memref<64x128xf32, #tpu.memory_space<vmem>>[vector<16xi32>, vector<16xi32>], vector<16xf32>,
          %add3A_659 = arith.addf %while3A_642, %gather3A_658 : vector<16xf32>
          scf.yield %add3A_645, %add3A_647, %add3A_649, %add3A_651, %add3A_653, %add3A_655, %add3A_657, %add3A_659 : vector<16xf32>, vector<16xf32>, vector<16xf32>, vector<16xf32>, vector<16xf32>, vector<16xf32>, vector<16xf32>, vector<16xf32>
        }
        %mul3A_623 = arith.constant 128 : i32
        %mul3A_624 = arith.muli %while3A_591, %mul3A_623 : i32
        %broadcast_in_dim3A_625 = vector.broadcast %mul3A_624 : i32 to vector<16xi32>
        %add3A_626 = arith.addi %broadcast_in_dim3A_625, %add3A_521 : vector<16xi32>
        tpu.vector_store_idx %arg8[%broadcast_in_dim3A_518, %add3A_626], %while3A_622#0 {add = true} : memref<1x2048xf32, #tpu.memory_space<vmem>>[vector<16xi32>, vector<16xi32>], vector<16xf32>,
        %add3A_627 = arith.addi %broadcast_in_dim3A_625, %add3A_524 : vector<16xi32>
        tpu.vector_store_idx %arg8[%broadcast_in_dim3A_518, %add3A_627], %while3A_622#1 {add = true} : memref<1x2048xf32, #tpu.memory_space<vmem>>[vector<16xi32>, vector<16xi32>], vector<16xf32>,
        %add3A_628 = arith.addi %broadcast_in_dim3A_625, %add3A_527 : vector<16xi32>
        tpu.vector_store_idx %arg8[%broadcast_in_dim3A_518, %add3A_628], %while3A_622#2 {add = true} : memref<1x2048xf32, #tpu.memory_space<vmem>>[vector<16xi32>, vector<16xi32>], vector<16xf32>,
        %add3A_629 = arith.addi %broadcast_in_dim3A_625, %add3A_530 : vector<16xi32>
        tpu.vector_store_idx %arg8[%broadcast_in_dim3A_518, %add3A_629], %while3A_622#3 {add = true} : memref<1x2048xf32, #tpu.memory_space<vmem>>[vector<16xi32>, vector<16xi32>], vector<16xf32>,
        %add3A_630 = arith.addi %broadcast_in_dim3A_625, %add3A_533 : vector<16xi32>
        tpu.vector_store_idx %arg8[%broadcast_in_dim3A_518, %add3A_630], %while3A_622#4 {add = true} : memref<1x2048xf32, #tpu.memory_space<vmem>>[vector<16xi32>, vector<16xi32>], vector<16xf32>,
        %add3A_631 = arith.addi %broadcast_in_dim3A_625, %add3A_536 : vector<16xi32>
        tpu.vector_store_idx %arg8[%broadcast_in_dim3A_518, %add3A_631], %while3A_622#5 {add = true} : memref<1x2048xf32, #tpu.memory_space<vmem>>[vector<16xi32>, vector<16xi32>], vector<16xf32>,
        %add3A_632 = arith.addi %broadcast_in_dim3A_625, %add3A_539 : vector<16xi32>
        tpu.vector_store_idx %arg8[%broadcast_in_dim3A_518, %add3A_632], %while3A_622#6 {add = true} : memref<1x2048xf32, #tpu.memory_space<vmem>>[vector<16xi32>, vector<16xi32>], vector<16xf32>,
        %add3A_633 = arith.addi %broadcast_in_dim3A_625, %add3A_542 : vector<16xi32>
        tpu.vector_store_idx %arg8[%broadcast_in_dim3A_518, %add3A_633], %while3A_622#7 {add = true} : memref<1x2048xf32, #tpu.memory_space<vmem>>[vector<16xi32>, vector<16xi32>], vector<16xf32>,
      }
    }
    %scan3A_550 = arith.constant 16 : i32
    "tpu.region"() ({
      %run_scoped3A = tpu.sem_alloc : memref<!tpu.dma_semaphore, #tpu.memory_space<semaphore_mem>>
      %dma_start3A = arith.constant 0 : i32
      %dma_start3A_557 = arith.constant 0 : i32
      %dma_start3A_558 = tpu.memref_slice %arg11[%dma_start3A, %dma_start3A_557] : memref<1x2048xf32, #tpu.memory_space<vmem_shared>> -> memref<1x2048xf32, #tpu.memory_space<vmem_shared>>
      tpu.enqueue_indirect_dma source(%arg8 : memref<1x2048xf32, #tpu.memory_space<vmem>>) target(%dma_start3A_558 : memref<1x2048xf32, #tpu.memory_space<vmem_shared>>) offsets(%arg9 : memref<1xi32, #tpu.memory_space<vmem>>) semaphore(%run_scoped3A : memref<!tpu.dma_semaphore, #tpu.memory_space<semaphore_mem>>) {add = true}
      %dma_wait3A = arith.constant 0 : i32
      %dma_wait3A_559 = arith.constant 0 : i32
      %dma_wait3A_560 = tpu.memref_slice %arg11[%dma_wait3A, %dma_wait3A_559] : memref<1x2048xf32, #tpu.memory_space<vmem_shared>> -> memref<1x2048xf32, #tpu.memory_space<vmem_shared>>
      tpu.wait_indirect_dma semaphore(%run_scoped3A : memref<!tpu.dma_semaphore, #tpu.memory_space<semaphore_mem>>) src(%arg8 : memref<1x2048xf32, #tpu.memory_space<vmem>>) dst(%dma_wait3A_560 : memref<1x2048xf32, #tpu.memory_space<vmem_shared>>)
      tpu.yield
    }) : () -> ()
    %barrier3A_551 = arith.constant 0 : index
    tpu.barrier barrier_id(%barrier3A_551)
    %eq3A_552 = arith.constant 0 : i32
    %eq3A_553 = arith.cmpi eq, %arg1, %eq3A_552 : i32
    %convert_element_type3A_554 = arith.extui %eq3A_553 : i1 to i32
    %cond3A_555 = arith.constant 0 : i32
    %cond3A_556 = arith.cmpi ne, %convert_element_type3A_554, %cond3A_555 : i32
    scf.if %cond3A_556 {
      "tpu.region"() ({
        %run_scoped3A = tpu.sem_alloc : memref<!tpu.dma_semaphore, #tpu.memory_space<semaphore_mem>>
        %dma_start3A = arith.constant 0 : i32
        %dma_start3A_557 = tpu.memref_slice %arg5[%arg0, %dma_start3A] : memref<2x2048xf32, #tpu.memory_space<hbm>> -> memref<1x2048xf32, #tpu.memory_space<hbm>>
        tpu.enqueue_dma source(%arg11 : memref<1x2048xf32, #tpu.memory_space<vmem_shared>>) target(%dma_start3A_557 : memref<1x2048xf32, #tpu.memory_space<hbm>>) target_semaphore(%run_scoped3A : memref<!tpu.dma_semaphore, #tpu.memory_space<semaphore_mem>>)
        %dma_wait3A = arith.constant 0 : i32
        %dma_wait3A_558 = tpu.memref_slice %arg5[%arg0, %dma_wait3A] : memref<2x2048xf32, #tpu.memory_space<hbm>> -> memref<1x2048xf32, #tpu.memory_space<hbm>>
        tpu.wait_dma2 semaphore(%run_scoped3A : memref<!tpu.dma_semaphore, #tpu.memory_space<semaphore_mem>>) src(%arg11 : memref<1x2048xf32, #tpu.memory_space<vmem_shared>>) dst(%dma_wait3A_558 : memref<1x2048xf32, #tpu.memory_space<hbm>>)
        tpu.yield
      }) : () -> ()
    } else {
    }
    return
  }
}

module attributes {stable_mosaic.version = 14 : i64} {
  func.func @_body(%arg0: i32, %arg1: i32, %arg2: memref<8192x128xf32, #tpu.memory_space<vmem>>, %arg3: memref<2x16x128xf32, #tpu.memory_space<vmem>>, %arg4: memref<16x1xi32, #tpu.memory_space<vmem>>, %arg5: memref<16x1xi32, #tpu.memory_space<vmem>>, %arg6: memref<16x1xf32, #tpu.memory_space<vmem>>, %arg7: memref<128x128xf32, #tpu.memory_space<vmem>>, %arg8: memref<1x128xf32, #tpu.memory_space<vmem>>, %arg9: memref<128x128xf32, #tpu.memory_space<vmem>>, %arg10: memref<1x128xf32, #tpu.memory_space<vmem>>, %arg11: memref<128x128xf32, #tpu.memory_space<vmem>>, %arg12: memref<1x128xf32, #tpu.memory_space<vmem>>, %arg13: memref<1x128xf32, #tpu.memory_space<vmem>>, %arg14: memref<8192x128xf32, #tpu.memory_space<vmem>>, %arg15: memref<32768x128xf32, #tpu.memory_space<vmem>>, %arg16: memref<16x128xf32, #tpu.memory_space<vmem>>) attributes {dimension_semantics = [#tpu.dimension_semantics<arbitrary>, #tpu.dimension_semantics<arbitrary>], iteration_bounds = array<i64: 2, 4>, scalar_prefetch = 0 : i64, scratch_operands = 2 : i64, tpu.core_type = #tpu.core_type<tc>, window_params = [{transform_indices = @transform_0, window_bounds = array<i64: 8192, 128>}, {pipeline_mode = #tpu.pipeline_mode<synchronous>, transform_indices = @transform_1, window_bounds = array<i64: 2, 16, 128>}, {pipeline_mode = #tpu.pipeline_mode<synchronous>, transform_indices = @transform_2, window_bounds = array<i64: 16, 1>}, {pipeline_mode = #tpu.pipeline_mode<synchronous>, transform_indices = @transform_3, window_bounds = array<i64: 16, 1>}, {pipeline_mode = #tpu.pipeline_mode<synchronous>, transform_indices = @transform_4, window_bounds = array<i64: 16, 1>}, {pipeline_mode = #tpu.pipeline_mode<synchronous>, transform_indices = @transform_5, window_bounds = array<i64: 128, 128>}, {pipeline_mode = #tpu.pipeline_mode<synchronous>, transform_indices = @transform_6, window_bounds = array<i64: 1, 128>}, {pipeline_mode = #tpu.pipeline_mode<synchronous>, transform_indices = @transform_7, window_bounds = array<i64: 128, 128>}, {pipeline_mode = #tpu.pipeline_mode<synchronous>, transform_indices = @transform_8, window_bounds = array<i64: 1, 128>}, {pipeline_mode = #tpu.pipeline_mode<synchronous>, transform_indices = @transform_9, window_bounds = array<i64: 128, 128>}, {pipeline_mode = #tpu.pipeline_mode<synchronous>, transform_indices = @transform_10, window_bounds = array<i64: 1, 128>}, {pipeline_mode = #tpu.pipeline_mode<synchronous>, transform_indices = @transform_11, window_bounds = array<i64: 1, 128>}, {transform_indices = @transform_12, window_bounds = array<i64: 8192, 128>}]} {
    %eq3A = arith.constant 0 : i32
    %eq3A_0 = arith.cmpi eq, %arg0, %eq3A : i32
    %convert_element_type3A = arith.extui %eq3A_0 : i1 to i32
    %cond3A = arith.constant 0 : i32
    %cond3A_1 = arith.cmpi ne, %convert_element_type3A, %cond3A : i32
    scf.if %cond3A_1 {
      %get3A = arith.constant 0 : index
      %get3A_7 = arith.constant 0 : index
      %get3A_8 = vector.load %arg2[%get3A, %get3A_7] : memref<8192x128xf32, #tpu.memory_space<vmem>>, vector<8192x128xf32>
      %get3A_9 = arith.constant 0 : index
      %get3A_10 = arith.constant 0 : index
      %get3A_11 = vector.load %arg11[%get3A_9, %get3A_10] : memref<128x128xf32, #tpu.memory_space<vmem>>, vector<128x128xf32>
      %dot_general3A = arith.constant dense<0.000000e+00> : vector<8192x128xf32>
      %dot_general3A_12 = tpu.matmul %get3A_8, %get3A_11, %dot_general3A {dimension_numbers = #tpu.dot_dimension_numbers<[1], [0], [0], [1], [0, 0, 1, 1], [], []>, transpose_lhs_hint = false} : vector<8192x128xf32>, vector<128x128xf32>, vector<8192x128xf32> -> vector<8192x128xf32>
      %mul3A = arith.constant 8192 : i32
      %mul3A_13 = arith.muli %arg1, %mul3A : i32
      %swap3A = arith.index_cast %mul3A_13 : i32 to index
      %swap3A_14 = arith.constant 0 : index
      %swap3A_15 = vector.load %arg15[%swap3A, %swap3A_14] : memref<32768x128xf32, #tpu.memory_space<vmem>>, vector<8192x128xf32>
      tpu.vector_store %arg15[%swap3A, %swap3A_14], %dot_general3A_12 {strides = array<i32>} : memref<32768x128xf32, #tpu.memory_space<vmem>>, vector<8192x128xf32>,
    } else {
    }
    %eq3A_2 = arith.constant 1 : i32
    %eq3A_3 = arith.cmpi eq, %arg0, %eq3A_2 : i32
    %convert_element_type3A_4 = arith.extui %eq3A_3 : i1 to i32
    %cond3A_5 = arith.constant 0 : i32
    %cond3A_6 = arith.cmpi ne, %convert_element_type3A_4, %cond3A_5 : i32
    scf.if %cond3A_6 {
      %eq3A_7 = arith.constant 0 : i32
      %eq3A_8 = arith.cmpi eq, %arg1, %eq3A_7 : i32
      %convert_element_type3A_9 = arith.extui %eq3A_8 : i1 to i32
      %cond3A_10 = arith.constant 0 : i32
      %cond3A_11 = arith.cmpi ne, %convert_element_type3A_9, %cond3A_10 : i32
      scf.if %cond3A_11 {
        %get3A_57 = arith.constant 0 : index
        %get3A_58 = arith.constant 0 : index
        %get3A_59 = arith.constant 0 : index
        %get3A_60 = vector.load %arg3[%get3A_57, %get3A_58, %get3A_59] : memref<2x16x128xf32, #tpu.memory_space<vmem>>, vector<1x16x128xf32>
        %get3A_61 = vector.shape_cast %get3A_60 : vector<1x16x128xf32> to vector<16x128xf32>
        %get3A_62 = arith.constant 1 : index
        %get3A_63 = arith.constant 0 : index
        %get3A_64 = arith.constant 0 : index
        %get3A_65 = vector.load %arg3[%get3A_62, %get3A_63, %get3A_64] : memref<2x16x128xf32, #tpu.memory_space<vmem>>, vector<1x16x128xf32>
        %get3A_66 = vector.shape_cast %get3A_65 : vector<1x16x128xf32> to vector<16x128xf32>
        %add3A_67 = arith.addf %get3A_61, %get3A_66 : vector<16x128xf32>
        %get3A_68 = arith.constant 0 : index
        %get3A_69 = arith.constant 0 : index
        %get3A_70 = vector.load %arg6[%get3A_68, %get3A_69] : memref<16x1xf32, #tpu.memory_space<vmem>>, vector<16x1xf32>
        %mul3A_71 = vector.broadcast %get3A_70 : vector<16x1xf32> to vector<16x128xf32>
        %mul3A_72 = arith.mulf %add3A_67, %mul3A_71 : vector<16x128xf32>
        %get3A_73 = arith.constant 0 : index
        %get3A_74 = arith.constant 0 : index
        %get3A_75 = vector.load %arg7[%get3A_73, %get3A_74] : memref<128x128xf32, #tpu.memory_space<vmem>>, vector<128x128xf32>
        %dot_general3A_76 = arith.constant dense<0.000000e+00> : vector<16x128xf32>
        %dot_general3A_77 = tpu.matmul %mul3A_72, %get3A_75, %dot_general3A_76 {dimension_numbers = #tpu.dot_dimension_numbers<[1], [0], [0], [1], [0, 0, 1, 1], [], []>, transpose_lhs_hint = false} : vector<16x128xf32>, vector<128x128xf32>, vector<16x128xf32> -> vector<16x128xf32>
        %get3A_78 = arith.constant 0 : index
        %get3A_79 = arith.constant 0 : index
        %get3A_80 = vector.load %arg8[%get3A_78, %get3A_79] : memref<1x128xf32, #tpu.memory_space<vmem>>, vector<1x128xf32>
        %add3A_81 = vector.broadcast %get3A_80 : vector<1x128xf32> to vector<16x128xf32>
        %add3A_82 = arith.addf %dot_general3A_77, %add3A_81 : vector<16x128xf32>
        %max3A_83 = arith.constant 0.000000e+00 : f32
        %max3A_84 = vector.broadcast %max3A_83 : f32 to vector<16x128xf32>
        %max3A_85 = arith.maximumf %add3A_82, %max3A_84 : vector<16x128xf32>
        %get3A_86 = arith.constant 0 : index
        %get3A_87 = arith.constant 0 : index
        %get3A_88 = vector.load %arg9[%get3A_86, %get3A_87] : memref<128x128xf32, #tpu.memory_space<vmem>>, vector<128x128xf32>
        %dot_general3A_89 = arith.constant dense<0.000000e+00> : vector<16x128xf32>
        %dot_general3A_90 = tpu.matmul %max3A_85, %get3A_88, %dot_general3A_89 {dimension_numbers = #tpu.dot_dimension_numbers<[1], [0], [0], [1], [0, 0, 1, 1], [], []>, transpose_lhs_hint = false} : vector<16x128xf32>, vector<128x128xf32>, vector<16x128xf32> -> vector<16x128xf32>
        %get3A_91 = arith.constant 0 : index
        %get3A_92 = arith.constant 0 : index
        %get3A_93 = vector.load %arg10[%get3A_91, %get3A_92] : memref<1x128xf32, #tpu.memory_space<vmem>>, vector<1x128xf32>
        %add3A_94 = vector.broadcast %get3A_93 : vector<1x128xf32> to vector<16x128xf32>
        %add3A_95 = arith.addf %dot_general3A_90, %add3A_94 : vector<16x128xf32>
        %swap3A_96 = arith.constant 0 : index
        %swap3A_97 = arith.constant 0 : index
        %swap3A_98 = vector.load %arg16[%swap3A_96, %swap3A_97] : memref<16x128xf32, #tpu.memory_space<vmem>>, vector<16x128xf32>
        tpu.vector_store %arg16[%swap3A_96, %swap3A_97], %add3A_95 {strides = array<i32>} : memref<16x128xf32, #tpu.memory_space<vmem>>, vector<16x128xf32>,
      } else {
      }
      %get3A = arith.constant 0 : index
      %get3A_12 = arith.constant 0 : index
      %get3A_13 = vector.load %arg4[%get3A, %get3A_12] : memref<16x1xi32, #tpu.memory_space<vmem>>, vector<16x1xi32>
      %get3A_14 = arith.constant 0 : index
      %get3A_15 = arith.constant 0 : index
      %get3A_16 = vector.load %arg5[%get3A_14, %get3A_15] : memref<16x1xi32, #tpu.memory_space<vmem>>, vector<16x1xi32>
      %iota3A = tpu.iota {dimensions = array<i32: 1>} : vector<16x8192xi32>
      %mul3A = arith.constant 8192 : i32
      %mul3A_17 = arith.muli %arg1, %mul3A : i32
      %add3A = vector.broadcast %mul3A_17 : i32 to vector<16x8192xi32>
      %add3A_18 = arith.addi %iota3A, %add3A : vector<16x8192xi32>
      %ge3A = vector.broadcast %get3A_13 : vector<16x1xi32> to vector<16x8192xi32>
      %ge3A_19 = arith.cmpi sge, %add3A_18, %ge3A : vector<16x8192xi32>
      %lt3A = vector.broadcast %get3A_16 : vector<16x1xi32> to vector<16x8192xi32>
      %lt3A_20 = arith.cmpi slt, %add3A_18, %lt3A : vector<16x8192xi32>
      %and3A = arith.andi %ge3A_19, %lt3A_20 : vector<16x8192xi1>
      %jit3A = arith.constant 1.000000e+00 : f32
      %jit3A_21 = arith.constant 0.000000e+00 : f32
      %broadcast_in_dim3A = vector.broadcast %jit3A : f32 to vector<16x8192xf32>
      %broadcast_in_dim3A_22 = vector.broadcast %jit3A_21 : f32 to vector<16x8192xf32>
      %select_n3A = arith.select %and3A, %broadcast_in_dim3A, %broadcast_in_dim3A_22 : vector<16x8192xi1>, vector<16x8192xf32>
      %mul3A_23 = arith.constant 8192 : i32
      %mul3A_24 = arith.muli %arg1, %mul3A_23 : i32
      %get3A_25 = arith.index_cast %mul3A_24 : i32 to index
      %get3A_26 = arith.constant 0 : index
      %get3A_27 = vector.load %arg15[%get3A_25, %get3A_26] : memref<32768x128xf32, #tpu.memory_space<vmem>>, vector<8192x128xf32>
      %get3A_28 = arith.constant 0 : index
      %get3A_29 = arith.constant 0 : index
      %get3A_30 = vector.load %arg16[%get3A_28, %get3A_29] : memref<16x128xf32, #tpu.memory_space<vmem>>, vector<16x128xf32>
      %dot_general3A = arith.constant dense<0.000000e+00> : vector<8192x128xf32>
      %dot_general3A_31 = tpu.matmul %select_n3A, %get3A_30, %dot_general3A {dimension_numbers = #tpu.dot_dimension_numbers<[0], [0], [1], [1], [0, 1, 1, 1], [], []>, transpose_lhs_hint = false} : vector<16x8192xf32>, vector<16x128xf32>, vector<8192x128xf32> -> vector<8192x128xf32>
      %add3A_32 = arith.addf %get3A_27, %dot_general3A_31 : vector<8192x128xf32>
      %mul3A_33 = arith.mulf %add3A_32, %add3A_32 : vector<8192x128xf32>
      %reduce_sum3A = arith.constant dense<0.000000e+00> : vector<8192xf32>
      %reduce_sum3A_34 = vector.multi_reduction <add>, %mul3A_33, %reduce_sum3A [1] : vector<8192x128xf32> to vector<8192xf32>
      %broadcast_in_dim3A_35 = vector.shape_cast %reduce_sum3A_34 : vector<8192xf32> to vector<8192x1xf32>
      %div3A = arith.constant 1.280000e+02 : f32
      %div3A_36 = vector.broadcast %div3A : f32 to vector<8192x1xf32>
      %div3A_37 = arith.divf %broadcast_in_dim3A_35, %div3A_36 : vector<8192x1xf32>
      %add3A_38 = arith.constant 9.99999974E-6 : f32
      %add3A_39 = vector.broadcast %add3A_38 : f32 to vector<8192x1xf32>
      %add3A_40 = arith.addf %div3A_37, %add3A_39 : vector<8192x1xf32>
      %rsqrt3A = math.rsqrt %add3A_40 : vector<8192x1xf32>
      %mul3A_41 = vector.broadcast %rsqrt3A : vector<8192x1xf32> to vector<8192x128xf32>
      %mul3A_42 = arith.mulf %add3A_32, %mul3A_41 : vector<8192x128xf32>
      %get3A_43 = arith.constant 0 : index
      %get3A_44 = arith.constant 0 : index
      %get3A_45 = vector.load %arg12[%get3A_43, %get3A_44] : memref<1x128xf32, #tpu.memory_space<vmem>>, vector<1x128xf32>
      %mul3A_46 = vector.broadcast %get3A_45 : vector<1x128xf32> to vector<8192x128xf32>
      %mul3A_47 = arith.mulf %mul3A_42, %mul3A_46 : vector<8192x128xf32>
      %get3A_48 = arith.constant 0 : index
      %get3A_49 = arith.constant 0 : index
      %get3A_50 = vector.load %arg13[%get3A_48, %get3A_49] : memref<1x128xf32, #tpu.memory_space<vmem>>, vector<1x128xf32>
      %add3A_51 = vector.broadcast %get3A_50 : vector<1x128xf32> to vector<8192x128xf32>
      %add3A_52 = arith.addf %mul3A_47, %add3A_51 : vector<8192x128xf32>
      %max3A = arith.constant 0.000000e+00 : f32
      %max3A_53 = vector.broadcast %max3A : f32 to vector<8192x128xf32>
      %max3A_54 = arith.maximumf %add3A_52, %max3A_53 : vector<8192x128xf32>
      %swap3A = arith.constant 0 : index
      %swap3A_55 = arith.constant 0 : index
      %swap3A_56 = vector.load %arg14[%swap3A, %swap3A_55] : memref<8192x128xf32, #tpu.memory_space<vmem>>, vector<8192x128xf32>
      tpu.vector_store %arg14[%swap3A, %swap3A_55], %max3A_54 {strides = array<i32>} : memref<8192x128xf32, #tpu.memory_space<vmem>>, vector<8192x128xf32>,
    } else {
    }
    return
  }
  func.func @transform_0(%arg0: i32, %arg1: i32) -> (i32, i32) {
    %eq3A = arith.constant 0 : i32
    %eq3A_0 = arith.cmpi eq, %arg0, %eq3A : i32
    %jit3A = arith.constant 3 : i32
    %select_n3A = arith.select %eq3A_0, %arg1, %jit3A : i32
    %c0_i32 = arith.constant 0 : i32
    %c0_i32_1 = arith.constant 0 : i32
    return %select_n3A, %c0_i32 : i32, i32
  }
  func.func @transform_1(%arg0: i32, %arg1: i32) -> (i32, i32, i32) {
    %c0_i32 = arith.constant 0 : i32
    %c0_i32_0 = arith.constant 0 : i32
    %c0_i32_1 = arith.constant 0 : i32
    %c0_i32_2 = arith.constant 0 : i32
    return %c0_i32, %c0_i32_0, %c0_i32_1 : i32, i32, i32
  }
  func.func @transform_2(%arg0: i32, %arg1: i32) -> (i32, i32) {
    %c0_i32 = arith.constant 0 : i32
    %c0_i32_0 = arith.constant 0 : i32
    %c0_i32_1 = arith.constant 0 : i32
    return %c0_i32, %c0_i32_0 : i32, i32
  }
  func.func @transform_3(%arg0: i32, %arg1: i32) -> (i32, i32) {
    %c0_i32 = arith.constant 0 : i32
    %c0_i32_0 = arith.constant 0 : i32
    %c0_i32_1 = arith.constant 0 : i32
    return %c0_i32, %c0_i32_0 : i32, i32
  }
  func.func @transform_4(%arg0: i32, %arg1: i32) -> (i32, i32) {
    %c0_i32 = arith.constant 0 : i32
    %c0_i32_0 = arith.constant 0 : i32
    %c0_i32_1 = arith.constant 0 : i32
    return %c0_i32, %c0_i32_0 : i32, i32
  }
  func.func @transform_5(%arg0: i32, %arg1: i32) -> (i32, i32) {
    %c0_i32 = arith.constant 0 : i32
    %c0_i32_0 = arith.constant 0 : i32
    %c0_i32_1 = arith.constant 0 : i32
    return %c0_i32, %c0_i32_0 : i32, i32
  }
  func.func @transform_6(%arg0: i32, %arg1: i32) -> (i32, i32) {
    %c0_i32 = arith.constant 0 : i32
    %c0_i32_0 = arith.constant 0 : i32
    %c0_i32_1 = arith.constant 0 : i32
    return %c0_i32, %c0_i32_0 : i32, i32
  }
  func.func @transform_7(%arg0: i32, %arg1: i32) -> (i32, i32) {
    %c0_i32 = arith.constant 0 : i32
    %c0_i32_0 = arith.constant 0 : i32
    %c0_i32_1 = arith.constant 0 : i32
    return %c0_i32, %c0_i32_0 : i32, i32
  }
  func.func @transform_8(%arg0: i32, %arg1: i32) -> (i32, i32) {
    %c0_i32 = arith.constant 0 : i32
    %c0_i32_0 = arith.constant 0 : i32
    %c0_i32_1 = arith.constant 0 : i32
    return %c0_i32, %c0_i32_0 : i32, i32
  }
  func.func @transform_9(%arg0: i32, %arg1: i32) -> (i32, i32) {
    %c0_i32 = arith.constant 0 : i32
    %c0_i32_0 = arith.constant 0 : i32
    %c0_i32_1 = arith.constant 0 : i32
    return %c0_i32, %c0_i32_0 : i32, i32
  }
  func.func @transform_10(%arg0: i32, %arg1: i32) -> (i32, i32) {
    %c0_i32 = arith.constant 0 : i32
    %c0_i32_0 = arith.constant 0 : i32
    %c0_i32_1 = arith.constant 0 : i32
    return %c0_i32, %c0_i32_0 : i32, i32
  }
  func.func @transform_11(%arg0: i32, %arg1: i32) -> (i32, i32) {
    %c0_i32 = arith.constant 0 : i32
    %c0_i32_0 = arith.constant 0 : i32
    %c0_i32_1 = arith.constant 0 : i32
    return %c0_i32, %c0_i32_0 : i32, i32
  }
  func.func @transform_12(%arg0: i32, %arg1: i32) -> (i32, i32) {
    %eq3A = arith.constant 0 : i32
    %eq3A_0 = arith.cmpi eq, %arg0, %eq3A : i32
    %jit3A = arith.constant 0 : i32
    %select_n3A = arith.select %eq3A_0, %jit3A, %arg1 : i32
    %c0_i32 = arith.constant 0 : i32
    %c0_i32_1 = arith.constant 0 : i32
    return %select_n3A, %c0_i32 : i32, i32
  }
}

</mosaic_0001>

<sc_bundles>
// kernel: kernel.4.cloned.1.call-start
scs
__scs_entry_jumppad:
0x0: {  	(pc) =	sbr.rel $0x88, $3  }
0x1: {  	(tag) =	ssettag $0x0;
	lr =	simm.s32 $0x1  }
0x2: {  	[smem:$0x3F99] =	sst lr;
	_ =	strace $0xD0000000  }
0x3: {  	_ = 	snop  }
0x4: {  	_ = 	snop  }
0x5: {  	_ = 	snop  }
0x6: {  	_ = 	snop  }
0x7: {  	_ = 	snop  }
__scs_overlays_trampoline_lowered:
0x8: {  	[smem:$0x3FA8] =	sst s0  }
0x9: {  	[smem:$0x3FA9] =	sst s1  }
0xa: {  	[smem:$0x3FAA] =	sst s2  }
0xb: {  	[smem:$0x3FAB] =	sst s3  }
0xc: {  	[smem:$0x3FAC] =	sst s4  }
0xd: {  	[smem:$0x3FAD] =	sst s5  }
0xe: {  	[smem:$0x3FAE] =	sst s6  }
0xf: {  	[smem:$0x3FAF] =	sst s7  }
0x10: {  	[smem:$0x3FB0] =	sst s8  }
0x11: {  	[smem:$0x3FB1] =	sst s9;
	s0 =	simm.s32 @!p0 $0x0  }
0x12: {  	s1 =	sld [smem:$0x3F97];
	s0 =	simm.s32 @p0 $0x1  }
0x13: {  	[smem:$0x3FB2] =	sst s0;
	s0 =	simm.s32 @!p1 $0x0  }
0x14: {  	s2 =	sld [smem:$0x3F96];
	s0 =	simm.s32 @p1 $0x1  }
0x15: {  	[smem:$0x3FB3] =	sst s0;
	s0 =	simm.s32 @!p2 $0x0  }
0x16: {  	s3 =	sld [smem:$0x3FDB];
	s0 =	simm.s32 @p2 $0x1  }
0x17: {  	s4 =	simm.s32 $0x1BF5;
	[smem:$0x3FB5] =	sst s0  }
0x18: {  	s0 =	sld [smem:$0x3F98];
	_ =	swait.ge [sflag:s4], $0x0  }
0x19: {  	s7 =	sld [smem:$0x3F99]  }
0x1a: {  	s8 =	sadd.s32 $0xFFFFE003, lr  }
0x1b: {  	s9 =	sadd.s32 $0xFFFFFEF7, lr;
	s5 =	simm.s32 $0xFFFFFFFF;
	p2 =	slt.u32 s8, $0xFFFFF086  }
0x1c: {  	p1 =	slt.u32 s9, $0xF7A;
	s5 =	simm.s32 @!p2 $0x0  }
0x1d: {  	s5 =	simm.s32 @p1 $0x1;
	p0 =	seq.s32 s7, s2  }
0x1e: {  	s7 =	smul.u32 @!p0 $0xF7A, s2;
	p2 =	seq.s32 @!p0 s5, $0x0  }
0x1f: {  	s9 =	smul.u32 $0xF7A, s1;
	s8 =	simm.s32 @!p0 $0x1BF5;
	p2 =	por !p2, p0  }
0x20: {  	[sflag:s8] =	ssyncset.s32 @!p0 $0xFFFFF086;
	s6 =	sadd.s32 @!p0 s3, s7;
	s7 =	simm.s32 @!p0 $0x108  }
0x21: {  	s3 =	sadd.s32 s3, s9;
	s6 =	sadd.s32 @!p0 $0x88, s6;
	s7 =	simm.s32 @p2 $0x1082  }
0x22: {  	[simem:s7], [sflag:s8] =	dma.local @!p0 [hbm:s6], $0xF7A  }
0x23: {  	s9 =	sor.u32 $0xD0000000, s2;
	s6 =	simm.s32 $0x108;
	_ =	swait.ge @!p0 [sflag:s8], $0x0  }
0x24: {  	s3 =	sadd.s32 $0x88, s3;
	s6 =	simm.s32 @!p1 $0x1082;
	[sflag:s4] =	ssyncset.s32 $0xFFFFF086  }
0x25: {  	[simem:s6], [sflag:s4] =	dma.local [hbm:s3], $0xF7A  }
0x26: {  	[smem:$0x3F99] =	sst s1;
	(tag) =	ssettag s2;
	_ =	strace s9  }
0x27: {  	s1 =	sld [smem:$0x3FA9]  }
0x28: {  	s2 =	sld [smem:$0x3FAA]  }
0x29: {  	s4 =	sld [smem:$0x3FAC]  }
0x2a: {  	p0 =	seq.s32 s5, $0x0;
	s5 =	sld [smem:$0x3FAD]  }
0x2b: {  	s6 =	sld [smem:$0x3FAE]  }
0x2c: {  	s7 =	sld [smem:$0x3FAF]  }
0x2d: {  	s3 =	simm.s32 $0x108;
	s8 =	sld [smem:$0x3FB0]  }
0x2e: {  	s3 =	simm.s32 @!p0 $0x1082;
	s9 =	sld [smem:$0x3FB1]  }
0x2f: {  	lr =	sadd.s32 s0, s3;
	s0 =	sld [smem:$0x3FA8]  }
0x30: {  	s3 =	sld [smem:$0x3FAB]  }
0x31: {  	[smem:$0x3FB4] =	sst s10  }
0x32: {  	s10 =	sld [smem:$0x3FB2];
	_ =	sdelay $0x3  }
0x33: {  	p0 =	seq.s32 s10, $0x1;
	s10 =	sld [smem:$0x3FB4];
	_ =	sdelay $0x3  }
0x34: {  	[smem:$0x3FB4] =	sst s10  }
0x35: {  	s10 =	sld [smem:$0x3FB3];
	_ =	sdelay $0x3  }
0x36: {  	p1 =	seq.s32 s10, $0x1;
	s10 =	sld [smem:$0x3FB4];
	_ =	sdelay $0x3  }
0x37: {  	[smem:$0x3FB4] =	sst s10  }
0x38: {  	s10 =	sld [smem:$0x3FB5]  }
0x39: {  	_ = 	snop;
	(pc) =	sbr.ind lr, $3  }
0x3a: {  	_ = 	snop  }
0x3b: {  	_ = 	snop  }
0x3c: {  	p2 =	seq.s32 s10, $0x1;
	s10 =	sld [smem:$0x3FB4]  }
0x3d: {  	_ =	shalt  }
0x3e: {  	_ =	shalt  }
0x3f: {  	_ =	shalt  }
0x40: {  	_ =	shalt  }
0x41: {  	_ =	shalt  }
0x42: {  	_ =	shalt  }
0x43: {  	_ =	shalt  }
0x44: {  	_ =	shalt  }
0x45: {  	_ =	shalt  }
0x46: {  	_ =	shalt  }
0x47: {  	_ =	shalt  }
0x48: {  	_ =	shalt  }
0x49: {  	_ =	shalt  }
0x4a: {  	_ =	shalt  }
0x4b: {  	_ =	shalt  }
0x4c: {  	_ =	shalt  }
0x4d: {  	_ =	shalt  }
0x4e: {  	_ =	shalt  }
0x4f: {  	_ =	shalt  }
0x50: {  	_ =	shalt  }
0x51: {  	_ =	shalt  }
0x52: {  	_ =	shalt  }
0x53: {  	_ =	shalt  }
0x54: {  	_ =	shalt  }
0x55: {  	_ =	shalt  }
0x56: {  	_ =	shalt  }
0x57: {  	_ =	shalt  }
0x58: {  	_ =	shalt  }
0x59: {  	_ =	shalt  }
0x5a: {  	_ =	shalt  }
0x5b: {  	_ =	shalt  }
0x5c: {  	_ =	shalt  }
0x5d: {  	_ =	shalt  }
0x5e: {  	_ =	shalt  }
0x5f: {  	_ =	shalt  }
0x60: {  	_ =	shalt  }
0x61: {  	_ =	shalt  }
0x62: {  	_ =	shalt  }
0x63: {  	_ =	shalt  }
0x64: {  	_ =	shalt  }
0x65: {  	_ =	shalt  }
0x66: {  	_ =	shalt  }
0x67: {  	_ =	shalt  }
0x68: {  	_ =	shalt  }
0x69: {  	_ =	shalt  }
0x6a: {  	_ =	shalt  }
0x6b: {  	_ =	shalt  }
0x6c: {  	_ =	shalt  }
0x6d: {  	_ =	shalt  }
0x6e: {  	_ =	shalt  }
0x6f: {  	_ =	shalt  }
0x70: {  	_ =	shalt  }
0x71: {  	_ =	shalt  }
0x72: {  	_ =	shalt  }
0x73: {  	_ =	shalt  }
0x74: {  	_ =	shalt  }
0x75: {  	_ =	shalt  }
0x76: {  	_ =	shalt  }
0x77: {  	_ =	shalt  }
0x78: {  	_ =	shalt  }
0x79: {  	_ =	shalt  }
0x7a: {  	_ =	shalt  }
0x7b: {  	_ =	shalt  }
0x7c: {  	_ =	shalt  }
0x7d: {  	_ =	shalt  }
0x7e: {  	_ =	shalt  }
0x7f: {  	_ =	shalt  }
0x80: {  	_ =	shalt  }
0x81: {  	_ =	shalt  }
0x82: {  	_ =	shalt  }
0x83: {  	_ =	shalt  }
0x84: {  	_ =	shalt  }
0x85: {  	_ =	shalt  }
0x86: {  	_ =	shalt  }
0x87: {  	_ =	shalt  }
.Lfunc_end0:
.L_simem_size_0:
called_computation_lowered:
.L_overlay_start_0:
0x88: {  	s2 =	sld [smem:$0x3FD9]  }
0x89: {  	s3 =	sld [smem:$0x3FFE];
	_ =	sdelay $0x1  }
0x8a: {  	s1 =	srdreg.scid  }
0x8b: {  	s0 =	sand.u32 $0x1, s1  }
0x8c: {  	s17 =	sshll.u32 s0, $0xA;
	s2 =	sadd.s32 s3, s2  }
0x8d: {  	s2 =	sadd.s32 s2, s17  }
0x8e: {  	[smem:$0x3FC0] =	sst s2  }
0x8f: {  	_ = 	snop  }
0x90: {  	s2 =	sld [smem:$0x3FC9]  }
0x91: {  	s18 =	sld [smem:$0x3FC8]  }
0x92: {  	s4 =	sld [smem:$0x3FD0];
	(tm) =	ssettm $0x1  }
0x93: {  	s5 =	sld [smem:$0x3FFB];
	_ =	sdelay $0x3  }
0x94: {  	_ =	strace s5  }
0x95: {  	s5 =	sld [smem:$0x3FFC];
	_ =	sdelay $0x3  }
0x96: {  	_ =	strace s5  }
0x97: {  	s5 =	sld [smem:$0x3FFD];
	_ =	sdelay $0x3  }
0x98: {  	_ =	strace s5  }
0x99: {  	_ =	strace $0x8FFFFFFF  }
0x9a: {  	s19 =	sld [smem:$0x3FDB];
	_ =	sdelay $0x1  }
0x9b: {  	s6 =	simm.s32 $_scs_section_size  }
0x9c: {  	s7 =	simm.s32 $_size__tile_overlayer_lowered;
	s8 =	simm.s32 $_tile_overlayer_lowered  }
0x9d: {  	s22 =	simm.s32 $0x1BFF;
	s21 =	sshll.u32 s8, $0x1;
	s5 =	sadd.s32 s6, s19  }
0x9e: {  	s9 =	simm.s32 $0x0;
	s20 =	sshll.u32 s7, $0x1;
	s7 =	sadd.s32 s21, s5  }
0x9f: {  	[timem:s9], [sflag:s22] =	dma.local [hbm:s7], s20  }
0xa0: {  	_ =	swait.ge [sflag:s22], s20  }
0xa1: {  	s6 =	ssub.s32 $0x0, s20;
	[sflag:s22] =	ssyncset.done $0x0  }
0xa2: {  	[sflag:s22] =	ssyncadd.s32 s6;
	_ =	sdelay $0x1  }
0xa3: {  	s23 =	simm.s32 $0x1B8B  }
0xa4: {  	_ =	swait.ge [sflag:s23], $0x1  }
0xa5: {  	[sflag:s23] =	ssyncset.done $0x0  }
0xa6: {  	s25 =	simm.s32 $0x1B8E;
	s24 =	sld [smem:$0x3FFE];
	[sflag:s23] =	ssyncadd.s32 $0xFFFFFFFF  }
0xa7: {  	s26 =	simm.s32 $execute0_lowered;
	[smem:$0x3FD2] =	sst s25  }
0xa8: {  	s7 =	sshll.u32 s26, $0x1;
	_ =	strace $0x80000046;
	[dreg:$0x1] =	wrdreg $0xFFFFFFFF  }
0xa9: {  	s28 =	simm.s32 $_size_execute0_lowered;
	s5 =	sadd.s32 s5, s7;
	[dreg:$0x0] =	wrdreg $0x0  }
0xaa: {  	s7 =	sshll.u32 s28, $0x1;
	[dreg:$0x2] =	wrdreg s5  }
0xab: {  	[dreg:$0x3] =	wrdreg s7  }
0xac: {  	[dreg:$0x4] =	wrdreg $0xC0  }
0xad: {  	_ =	task [dreg:s9], $0x5FFFF  }
0xae: {  	[dreg:$0x1] =	wrdreg $0xFFFFFFFF  }
0xaf: {  	[dreg:$0x0] =	wrdreg $0x60  }
0xb0: {  	[dreg:$0x2] =	wrdreg s2  }
0xb1: {  	[dreg:$0x3] =	wrdreg s18  }
0xb2: {  	[dreg:$0x4] =	wrdreg s24  }
0xb3: {  	[dreg:$0x5] =	wrdreg s4  }
0xb4: {  	[dreg:$0x6] =	wrdreg $0x29000  }
0xb5: {  	[dreg:$0x7] =	wrdreg $0x9  }
0xb6: {  	_ =	task.clear_ibuf [dreg:s9], $0x8FFFF;
	_ =	strace $0x90000046  }
0xb7: {  	s29 =	simm.s32 $0x9;
	_ =	strace $0x80000048  }
0xb8: {  	_ =	swait.ge [sflag:s29], $0x1  }
0xb9: {  	[sflag:s29] =	ssyncadd.s32 $0xFFFFFFFF  }
0xba: {  	_ =	strace $0x90000048  }
0xbb: {  	_ =	sfence  }
0xbc: {  	s30 =	sld [smem:$0x0];
	_ =	sdelay $0x2  }
0xbd: {  	s31 =	sshll.u32 s1, $0xD;
	s1 =	sshrl.u32 s1, $0x2  }
0xbe: {  	s3 =	sand.u32 $0x4000, s31;
	s1 =	sadd.s32 s1, s30  }
0xbf: {  	s0 =	sor.u32 s3, s0;
	s1 =	sshll.u32 s1, $0x11  }
0xc0: {  	s0 =	sor.u32 s1, s0  }
0xc1: {  	s0 =	sadd.s32 $0x8F2B, s0  }
0xc2: {  	[sflag:s0] =	ssyncadd.remote.s32 $0x1  }
0xc3: {  	_ =	sfence.sel $0xFFFF  }
0xc4: {  	[dreg:$0x0] =	wrdreg $0xFFFFFFFF;
	(pc) =	sbr.abs _section_cstart, $3  }
0xc5: {  	[dreg:$0x1] =	wrdreg $0xFFFFFFFF  }
0xc6: {  	_ =	task.clear_ibuf [dreg:s9], $0x2FFFF;
	_ =	strace $0x9FFFFFFF  }
0xc7: {  	(tm) =	ssettm $0x7FFFFFFF  }
tec
execute0_lowered:
.L_overlay_start_1:
0x0: {  	(tag) =	ssettag $0x1  }
0x1: {  	s1 =	rddreg [dreg:$0x0]  }
0x2: {  	s2 =	rddreg [dreg:$0x1]  }
0x3: {  	s5 =	rddreg [dreg:$0x2]  }
0x4: {  	s7 =	rddreg [dreg:$0x3]  }
0x5: {  	s3 =	rddreg [dreg:$0x4]  }
0x6: {  	s0 =	rddreg [dreg:$0x5]  }
0x7: {  	s4 =	simm.s32 $0x0;
	s6 =	srdreg.scid;
	s10 =	stileid.u32  }
0x8: {  	s13 =	simm.s32 $0x2080;
	s14 =	simm.s32 $0x0;
	[smem:$0x7FF] =	sst s4  }
0x9: {  	s8 =	sand.u32 $0x1, s6;
	s5 =	sadd.s32 $0x1600, s5;
	s12 =	sshll.u32 s10, $0xA  }
.Ltmp0:
0xa: {  	p0 =	sne.s32 s10, $0x0;
	s10 =	simm.s32 $0x1;
	(pc) =	sbr.rel .LBB2_1-.Ltmp0, $4  }
0xb: {  	v0 =	vlaneseq.u32;
	s6 =	ssub.s32 $0x2, s8;
	s11 =	sshll.u32 s8, $0xE;
	s8 =	sshll.u32 s8, $0x4  }
0xc: {  	v1 =	vimm.f32 $0.0e+00;
	v2 =	vimm.s32 $0x0;
	v3 =	vor.u32 $0x10, v0;
	_ =	strace $0x80000047;
	s9 =	sshrl.u32 s6, $0x1;
	s7 =	sadd.s32 s7, s8  }
0xd: {  	v4 =	vor.u32 $0x20, v0;
	v5 =	vor.u32 $0x30, v0;
	v6 =	vor.u32 $0x40, v0;
	s9 =	ssub.s32 s6, s9;
	s6 =	sor.u32 s12, s11;
	s11 =	simm.s32 $0x2880  }
0xe: {  	v7 =	vor.u32 $0x50, v0;
	v8 =	vor.u32 $0x60, v0;
	v9 =	vor.u32 $0x70, v0;
	s12 =	simm.s32 $0x80;
	s8 =	smax.u32 s9, $0x1;
	s9 =	ssub.s32 $0x0, s6  }
.LBB2_15:
0xf: {  	[spmem:s3] =	stream.indirect.scatter.add.f32 [tilespmem:s13], [sflag:$0x1], $0x800, s11, s10, $0xb8;
	[tilespmem:$0x2980] =	vst v63  }
0x10: {  	s15 =	sshrl.u32 @!p0 s3, $0x3;
	s16 =	simm.s32 @!p0 $0x1;
	_ =	swait.ge [sflag:s10], $0x800  }
0x11: {  	s17 =	simm.s32 @!p0 $0x20;
	s14 =	sadd.s32 $0x1, s14;
	[sflag:s10] =	ssyncset.done $0x0  }
0x12: {  	s18 =	simm.s32 @!p0 $0x10;
	p1 =	sne.s32 s14, s8;
	[sflag:s10] =	ssyncadd.s32 $0xFFFFF800  }
.Ltmp1:
0x13: {  	s19 =	simm.s32 @!p0 $0x1C01;
	[bflag:$0x0] =	sbarrier.arrive $0xFFFF;
	(pc) =	sbr.rel @!p1 .LBB2_16-.Ltmp1, $4  }
0x14: {  	[hbm:s7@s17], [sflag:s19] =	dma.strided @!p0 [spmem:s15@s18], $0x100, s16, $0x10   }
0x15: {  	_ =	swait.ge @!p0 [sflag:s16], $0x100  }
0x16: {  	[sflag:s16] =	ssyncset.done @!p0 $0x0  }
0x17: {  	[sflag:s16] =	ssyncadd.s32 @!p0 $0xFFFFFF00  }
.LBB2_1:
0x18: {  	[tilespmem:s4], [sflag:$0x1] =	stream.linear.gather [hbm4b:s2+s4], $0x80, $0x38;
	[tilespmem:$0x2980] =	vst v63  }
0x19: {  	_ =	swait.ge [sflag:s10], $0x80  }
0x1a: {  	[sflag:s10] =	ssyncset.done $0x0  }
0x1b: {  	[sflag:s10] =	ssyncadd.s32 $0xFFFFFF80  }
0x1c: {  	[tilespmem:s11], [sflag:$0x1] =	stream.linear.gather [hbm4b:s5+s4], $0x80, $0x38;
	[tilespmem:$0x2980] =	vst v63  }
0x1d: {  	_ =	swait.ge [sflag:s10], $0x80  }
0x1e: {  	[sflag:s10] =	ssyncset.done $0x0  }
0x1f: {  	[sflag:s10] =	ssyncadd.s32 $0xFFFFFF80  }
0x20: {  	[tilespmem:$0x2080] =	vst v1  }
0x21: {  	[tilespmem:$0x2090] =	vst v1  }
0x22: {  	[tilespmem:$0x20A0] =	vst v1  }
0x23: {  	[tilespmem:$0x20B0] =	vst v1  }
0x24: {  	[tilespmem:$0x20C0] =	vst v1  }
0x25: {  	[tilespmem:$0x20D0] =	vst v1  }
0x26: {  	[tilespmem:$0x20E0] =	vst v1  }
0x27: {  	[tilespmem:$0x20F0] =	vst v1  }
0x28: {  	[tilespmem:$0x2100] =	vst v1  }
0x29: {  	[tilespmem:$0x2110] =	vst v1  }
0x2a: {  	[tilespmem:$0x2120] =	vst v1  }
0x2b: {  	[tilespmem:$0x2130] =	vst v1  }
0x2c: {  	[tilespmem:$0x2140] =	vst v1  }
0x2d: {  	[tilespmem:$0x2150] =	vst v1  }
0x2e: {  	[tilespmem:$0x2160] =	vst v1  }
0x2f: {  	[tilespmem:$0x2170] =	vst v1  }
0x30: {  	[tilespmem:$0x2180] =	vst v1  }
0x31: {  	[tilespmem:$0x2190] =	vst v1  }
0x32: {  	[tilespmem:$0x21A0] =	vst v1  }
0x33: {  	[tilespmem:$0x21B0] =	vst v1  }
0x34: {  	[tilespmem:$0x21C0] =	vst v1  }
0x35: {  	[tilespmem:$0x21D0] =	vst v1  }
0x36: {  	[tilespmem:$0x21E0] =	vst v1  }
0x37: {  	[tilespmem:$0x21F0] =	vst v1  }
0x38: {  	[tilespmem:$0x2200] =	vst v1  }
0x39: {  	[tilespmem:$0x2210] =	vst v1  }
0x3a: {  	[tilespmem:$0x2220] =	vst v1  }
0x3b: {  	[tilespmem:$0x2230] =	vst v1  }
0x3c: {  	[tilespmem:$0x2240] =	vst v1  }
0x3d: {  	[tilespmem:$0x2250] =	vst v1  }
0x3e: {  	[tilespmem:$0x2260] =	vst v1  }
0x3f: {  	[tilespmem:$0x2270] =	vst v1  }
0x40: {  	[tilespmem:$0x2280] =	vst v1  }
0x41: {  	[tilespmem:$0x2290] =	vst v1  }
0x42: {  	[tilespmem:$0x22A0] =	vst v1  }
0x43: {  	[tilespmem:$0x22B0] =	vst v1  }
0x44: {  	[tilespmem:$0x22C0] =	vst v1  }
0x45: {  	[tilespmem:$0x22D0] =	vst v1  }
0x46: {  	[tilespmem:$0x22E0] =	vst v1  }
0x47: {  	[tilespmem:$0x22F0] =	vst v1  }
0x48: {  	[tilespmem:$0x2300] =	vst v1  }
0x49: {  	[tilespmem:$0x2310] =	vst v1  }
0x4a: {  	[tilespmem:$0x2320] =	vst v1  }
0x4b: {  	[tilespmem:$0x2330] =	vst v1  }
0x4c: {  	[tilespmem:$0x2340] =	vst v1  }
0x4d: {  	[tilespmem:$0x2350] =	vst v1  }
0x4e: {  	[tilespmem:$0x2360] =	vst v1  }
0x4f: {  	[tilespmem:$0x2370] =	vst v1  }
0x50: {  	[tilespmem:$0x2380] =	vst v1  }
0x51: {  	[tilespmem:$0x2390] =	vst v1  }
0x52: {  	[tilespmem:$0x23A0] =	vst v1  }
0x53: {  	[tilespmem:$0x23B0] =	vst v1  }
0x54: {  	[tilespmem:$0x23C0] =	vst v1  }
0x55: {  	[tilespmem:$0x23D0] =	vst v1  }
0x56: {  	[tilespmem:$0x23E0] =	vst v1  }
0x57: {  	[tilespmem:$0x23F0] =	vst v1  }
0x58: {  	[tilespmem:$0x2400] =	vst v1  }
0x59: {  	[tilespmem:$0x2410] =	vst v1  }
0x5a: {  	[tilespmem:$0x2420] =	vst v1  }
0x5b: {  	[tilespmem:$0x2430] =	vst v1  }
0x5c: {  	[tilespmem:$0x2440] =	vst v1  }
0x5d: {  	[tilespmem:$0x2450] =	vst v1  }
0x5e: {  	[tilespmem:$0x2460] =	vst v1  }
0x5f: {  	[tilespmem:$0x2470] =	vst v1  }
0x60: {  	[tilespmem:$0x2480] =	vst v1  }
0x61: {  	[tilespmem:$0x2490] =	vst v1  }
0x62: {  	[tilespmem:$0x24A0] =	vst v1  }
0x63: {  	[tilespmem:$0x24B0] =	vst v1  }
0x64: {  	[tilespmem:$0x24C0] =	vst v1  }
0x65: {  	[tilespmem:$0x24D0] =	vst v1  }
0x66: {  	[tilespmem:$0x24E0] =	vst v1  }
0x67: {  	[tilespmem:$0x24F0] =	vst v1  }
0x68: {  	[tilespmem:$0x2500] =	vst v1  }
0x69: {  	[tilespmem:$0x2510] =	vst v1  }
0x6a: {  	[tilespmem:$0x2520] =	vst v1  }
0x6b: {  	[tilespmem:$0x2530] =	vst v1  }
0x6c: {  	[tilespmem:$0x2540] =	vst v1  }
0x6d: {  	[tilespmem:$0x2550] =	vst v1  }
0x6e: {  	[tilespmem:$0x2560] =	vst v1  }
0x6f: {  	[tilespmem:$0x2570] =	vst v1  }
0x70: {  	[tilespmem:$0x2580] =	vst v1  }
0x71: {  	[tilespmem:$0x2590] =	vst v1  }
0x72: {  	[tilespmem:$0x25A0] =	vst v1  }
0x73: {  	[tilespmem:$0x25B0] =	vst v1  }
0x74: {  	[tilespmem:$0x25C0] =	vst v1  }
0x75: {  	[tilespmem:$0x25D0] =	vst v1  }
0x76: {  	[tilespmem:$0x25E0] =	vst v1  }
0x77: {  	[tilespmem:$0x25F0] =	vst v1  }
0x78: {  	[tilespmem:$0x2600] =	vst v1  }
0x79: {  	[tilespmem:$0x2610] =	vst v1  }
0x7a: {  	[tilespmem:$0x2620] =	vst v1  }
0x7b: {  	[tilespmem:$0x2630] =	vst v1  }
0x7c: {  	[tilespmem:$0x2640] =	vst v1  }
0x7d: {  	[tilespmem:$0x2650] =	vst v1  }
0x7e: {  	[tilespmem:$0x2660] =	vst v1  }
0x7f: {  	[tilespmem:$0x2670] =	vst v1  }
0x80: {  	[tilespmem:$0x2680] =	vst v1  }
0x81: {  	[tilespmem:$0x2690] =	vst v1  }
0x82: {  	[tilespmem:$0x26A0] =	vst v1  }
0x83: {  	[tilespmem:$0x26B0] =	vst v1  }
0x84: {  	[tilespmem:$0x26C0] =	vst v1  }
0x85: {  	[tilespmem:$0x26D0] =	vst v1  }
0x86: {  	[tilespmem:$0x26E0] =	vst v1  }
0x87: {  	[tilespmem:$0x26F0] =	vst v1  }
0x88: {  	[tilespmem:$0x2700] =	vst v1  }
0x89: {  	[tilespmem:$0x2710] =	vst v1  }
0x8a: {  	[tilespmem:$0x2720] =	vst v1  }
0x8b: {  	[tilespmem:$0x2730] =	vst v1  }
0x8c: {  	[tilespmem:$0x2740] =	vst v1  }
0x8d: {  	[tilespmem:$0x2750] =	vst v1  }
0x8e: {  	[tilespmem:$0x2760] =	vst v1  }
0x8f: {  	[tilespmem:$0x2770] =	vst v1  }
0x90: {  	[tilespmem:$0x2780] =	vst v1  }
0x91: {  	[tilespmem:$0x2790] =	vst v1  }
0x92: {  	[tilespmem:$0x27A0] =	vst v1  }
0x93: {  	[tilespmem:$0x27B0] =	vst v1  }
0x94: {  	[tilespmem:$0x27C0] =	vst v1  }
0x95: {  	[tilespmem:$0x27D0] =	vst v1  }
0x96: {  	[tilespmem:$0x27E0] =	vst v1  }
0x97: {  	[tilespmem:$0x27F0] =	vst v1  }
0x98: {  	[tilespmem:$0x2800] =	vst v1  }
0x99: {  	[tilespmem:$0x2810] =	vst v1  }
0x9a: {  	[tilespmem:$0x2820] =	vst v1  }
0x9b: {  	[tilespmem:$0x2830] =	vst v1  }
0x9c: {  	[tilespmem:$0x2840] =	vst v1  }
0x9d: {  	[tilespmem:$0x2850] =	vst v1  }
0x9e: {  	[tilespmem:$0x2860] =	vst v1  }
0x9f: {  	s15 =	simm.s32 @!p0 $0x2080;
	[tilespmem:$0x2870] =	vst v1  }
0xa0: {  	[spmem:s3] =	stream.linear.scatter @!p0 [tilespmem:s15], [sflag:$0x1], $0x800, $0x38;
	[tilespmem:$0x2980] =	vst v63  }
0xa1: {  	s15 =	simm.s32 @!p0 $0x1  }
.Ltmp2:
0xa2: {  	_ =	swait.ge @!p0 [sflag:s15], $0x800;
	(pc) =	sbr.rel .LBB2_2-.Ltmp2, $4  }
0xa3: {  	[sflag:s15] =	ssyncset.done @!p0 $0x0  }
0xa4: {  	[sflag:s15] =	ssyncadd.s32 @!p0 $0xFFFFF800  }
0xa5: {  	[bflag:$0x0] =	sbarrier.arrive $0xFFFF  }
0xa6: {  	s16 =	simm.s32 $0x0;
	s15 =	smov.u32 s9;
	v10 =	vld [tilespmem:$0x0]  }
.LBB2_14:
0xa7: {  	s16 =	sadd.s32 $0x1, s16  }
0xa8: {  	p1 =	sne.s32 s16, $0x10  }
.Ltmp3:
0xa9: {  	_ = 	snop;
	(pc) =	sbr.rel @!p1 .LBB2_15-.Ltmp3, $2  }
0xaa: {  	_ =	sdelay $0x2  }
0xab: {  	s15 =	sadd.s32 $0xFFFFFFC0, s15  }
.LBB2_2:
0xac: {  	s17 =	sshll.u32 s16, $0x6  }
0xad: {  	s17 =	sadd.s32 s6, s17  }
0xae: {  	s18 =	sshll.u32 s17, $0x4  }
0xaf: {  	s31 =	sor.u32 $0x3F, s17;
	s18 =	sadd.s32 s1, s18  }
0xb0: {  	[tilespmem:s12], [sflag:$0x1] =	stream.linear.gather [hbm4b:s18+s4], $0x2000, $0x38;
	vm0 =	vle.s32 v10, s17;
	[tilespmem:$0x2980] =	vst v63  }
0xb1: {  	vm15 =	vle.s32 v10, s31;
	_ =	swait.ge [sflag:s10], $0x2000;
	v11 =	vsel vm0, $0x1, v2  }
0xb2: {  	(xrf0) =	vadd.scan.msk.s32 $0xffff, v11;
	v11 =	vsel vm15, $0x1, v2  }
0xb3: {  	(xrf0) =	vadd.scan.msk.s32 $0xffff, v11;
	_ =	sdelay $0x4  }
0xb4: {  	v11, _, _ =	vpop (xrf0)  }
0xb5: {  	(v2sf) =	vpush v11, $0xF;
	v11, _, _ =	vpop (xrf0)  }
0xb6: {  	(v2sf) =	vpush v11, $0xF;
	_ =	sdelay $0xd  }
0xb7: {  	s19 =	spop (v2sf)  }
0xb8: {  	s18 =	spop (v2sf)  }
0xb9: {  	s20 =	sadd.s32 $0x1, s18  }
0xba: {  	p1 =	sge.s32 s19, s20  }
.Ltmp4:
0xbb: {  	_ = 	snop;
	(pc) =	sbr.rel @p1 .LBB2_14-.Ltmp4, $3  }
0xbc: {  	_ =	sdelay $0x1  }
0xbd: {  	[sflag:s10] =	ssyncset.done $0x0  }
0xbe: {  	[sflag:s10] =	ssyncadd.s32 $0xFFFFE000  }
.Ltmp5:
0xbf: {  	(pc) =	sbr.rel .LBB2_4-.Ltmp5, $2  }
0xc0: {  	_ =	sdelay $0x2  }
0xc1: {  	s20 =	sadd.s32 $0x40, s17  }
.LBB2_5:
0xc2: {  	v13 =	vimm.f32 $0.0e+00  }
0xc3: {  	v14 =	vimm.f32 $0.0e+00;
	v15 =	vimm.f32 $0.0e+00;
	v16 =	vimm.f32 $0.0e+00  }
0xc4: {  	v17 =	vimm.f32 $0.0e+00;
	v18 =	vimm.f32 $0.0e+00;
	v12 =	vimm.f32 $0.0e+00  }
.LBB2_13:
0xc5: {  	s21 =	sshll.u32 s19, $0x7  }
0xc6: {  	v19 =	vor.u32 s21, v0  }
0xc7: {  	v20 =	vor.u32 s21, v3  }
0xc8: {  	v21 =	vor.u32 s21, v4  }
0xc9: {  	v22 =	vor.u32 s21, v5  }
0xca: {  	v23 =	vor.u32 s21, v6  }
0xcb: {  	[tilespmem:v19+s13+$0x0] =	vst.idx.add.f32.msk $0xffff, v11;
	v11 =	vor.u32 s21, v7  }
0xcc: {  	v62 =	vor.u32 s21, v8;
	[tilespmem:v20+s13+$0x0] =	vst.idx.add.f32.msk $0xffff, v13  }
0xcd: {  	p1 =	sne.s32 s19, s18;
	v63 =	vor.u32 s21, v9;
	[tilespmem:v21+s13+$0x0] =	vst.idx.add.f32.msk $0xffff, v14  }
.Ltmp6:
0xce: {  	[tilespmem:v22+s13+$0x0] =	vst.idx.add.f32.msk $0xffff, v15;
	(pc) =	sbr.rel @!p1 .LBB2_14-.Ltmp6, $4  }
0xcf: {  	[tilespmem:v23+s13+$0x0] =	vst.idx.add.f32.msk $0xffff, v16  }
0xd0: {  	[tilespmem:v11+s13+$0x0] =	vst.idx.add.f32.msk $0xffff, v17  }
0xd1: {  	s31 =	sadd.s32 $0x1, s19;
	[tilespmem:v62+s13+$0x0] =	vst.idx.add.f32.msk $0xffff, v18  }
0xd2: {  	s19 =	smov.u32 s31;
	[tilespmem:v63+s13+$0x0] =	vst.idx.add.f32.msk $0xffff, v12  }
.LBB2_4:
0xd3: {  	s21 =	sadd.s32 $0xFFFFFFFF, s19  }
0xd4: {  	v11 =	vmov s21  }
0xd5: {  	vm0 =	veq.s32 v11, v0;
	v11 =	vmov s19  }
0xd6: {  	v12 =	vnsel vm0, $0x0, v10;
	vm15 =	veq.s32 v11, v0  }
0xd7: {  	(xrf0) =	vadd.scan.msk.s32 $0xffff, v12;
	v11 =	vnsel vm15, $0x0, v10  }
0xd8: {  	(xrf0) =	vadd.scan.msk.s32 $0xffff, v11;
	_ =	sdelay $0x4  }
0xd9: {  	v11, _, _ =	vpop (xrf0)  }
0xda: {  	(v2sf) =	vpush v11, $0xF;
	v11, _, _ =	vpop (xrf0)  }
0xdb: {  	(v2sf) =	vpush v11, $0xF;
	_ =	sdelay $0xd  }
0xdc: {  	s22 =	spop (v2sf)  }
0xdd: {  	s21 =	spop (v2sf)  }
0xde: {  	p1 =	sgt.s32 s17, s22;
	p2 =	slt.s32 s20, s21  }
0xdf: {  	s22 =	smov.u32 @p1 s17;
	s21 =	smov.u32 @p2 s20  }
0xe0: {  	p1 =	sge.s32 s22, s21  }
.Ltmp7:
0xe1: {  	_ = 	snop;
	(pc) =	sbr.rel @p1 .LBB2_5-.Ltmp7, $2  }
0xe2: {  	_ =	sdelay $0x2  }
0xe3: {  	v11 =	vimm.f32 $0.0e+00  }
0xe4: {  	s23 =	sadd.s32 s22, s15  }
0xe5: {  	s22 =	sadd.s32 $0x1, s22;
	s23 =	sshll.u32 s23, $0x7  }
0xe6: {  	p2 =	slt.s32 s22, s21;
	v15 =	vor.u32 s23, v9  }
.Ltmp8:
0xe7: {  	_ = 	snop;
	(pc) =	sbr.rel @!p2 .LBB2_7-.Ltmp8, $4  }
0xe8: {  	_ = 	snop  }
0xe9: {  	v14 =	vor.u32 s23, v0  }
0xea: {  	v13 =	vor.u32 s23, v3;
	v12 =	vor.u32 s23, v4;
	v32 =	vor.u32 s23, v5  }
0xeb: {  	p1 =	por $0x0, $0x0;
	v35 =	vor.u32 s23, v6;
	v34 =	vor.u32 s23, v7;
	v33 =	vor.u32 s23, v8;
	v15 =	vld.idx.msk [tilespmem:v15+s12+$0x0], $0xffff  }
0xec: {  	_ =	sdelay $0x3  }
0xed: {  	s23 =	sadd.s32 s22, s15;
	v19 =	vld.idx.msk [tilespmem:v14+s12+$0x0], $0xffff  }
0xee: {  	v23 =	vld.idx.msk [tilespmem:v13+s12+$0x0], $0xffff;
	s22 =	sadd.s32 $0x1, s22;
	s23 =	sshll.u32 s23, $0x7  }
0xef: {  	v20 =	vld.idx.msk [tilespmem:v12+s12+$0x0], $0xffff;
	p2 =	slt.s32 s22, s21;
	v26 =	vor.u32 s23, v9  }
.Ltmp9:
0xf0: {  	v21 =	vld.idx.msk [tilespmem:v32+s12+$0x0], $0xffff;
	v24 =	vimm.f32 $0.0e+00;
	v25 =	vimm.f32 $0.0e+00;
	v14 =	vor.u32 s23, v0;
	(pc) =	sbr.rel @!p2 .LBB2_9-.Ltmp9, $4  }
0xf1: {  	v17 =	vld.idx.msk [tilespmem:v35+s12+$0x0], $0xffff;
	v27 =	vimm.f32 $0.0e+00;
	v28 =	vimm.f32 $0.0e+00;
	v13 =	vor.u32 s23, v3  }
0xf2: {  	v18 =	vld.idx.msk [tilespmem:v34+s12+$0x0], $0xffff;
	v12 =	vor.u32 s23, v4;
	v32 =	vor.u32 s23, v5;
	v31 =	vor.u32 s23, v6  }
0xf3: {  	v22 =	vld.idx.msk [tilespmem:v33+s12+$0x0], $0xffff;
	v29 =	vor.u32 s23, v7;
	v30 =	vor.u32 s23, v8;
	v16 =	vadd.f32 v15, v11  }
0xf4: {  	p1 =	por $0x1, $0x1;
	v19 =	vadd.f32 v19, v11;
	v23 =	vadd.f32 v23, v11;
	v15 =	vld.idx.msk [tilespmem:v26+s12+$0x0], $0xffff;
	v26 =	vimm.f32 $0.0e+00  }
.LBB2_10:
0xf5: {  	s23 =	sadd.s32 s22, s15;
	s22 =	sadd.s32 $0x1, s22;
	v33 =	vld.idx.msk [tilespmem:v14+s12+$0x0], $0xffff;
	v24 =	vadd.f32 v20, v24  }
0xf6: {  	v25 =	vadd.f32 v21, v25;
	s23 =	sshll.u32 s23, $0x7;
	p2 =	slt.s32 s22, s21;
	v34 =	vld.idx.msk [tilespmem:v13+s12+$0x0], $0xffff  }
0xf7: {  	v14 =	vor.u32 s23, v0;
	v13 =	vor.u32 s23, v3;
	v35 =	vor.u32 s23, v9;
	v20 =	vld.idx.msk [tilespmem:v12+s12+$0x0], $0xffff  }
.Ltmp10:
0xf8: {  	v12 =	vor.u32 s23, v4;
	v36 =	vor.u32 s23, v6;
	v21 =	vld.idx.msk [tilespmem:v32+s12+$0x0], $0xffff;
	v32 =	vor.u32 s23, v5;
	(pc) =	sbr.rel @p2 .LBB2_10-.Ltmp10, $4  }
0xf9: {  	v26 =	vadd.f32 v17, v26;
	v37 =	vor.u32 s23, v7;
	v38 =	vor.u32 s23, v8;
	v17 =	vld.idx.msk [tilespmem:v31+s12+$0x0], $0xffff;
	v31 =	vmovc v36  }
0xfa: {  	v27 =	vadd.f32 v18, v27;
	v16 =	vadd.f32 v15, v16;
	v18 =	vld.idx.msk [tilespmem:v29+s12+$0x0], $0xffff;
	v29 =	vmov v37  }
0xfb: {  	v28 =	vadd.f32 v22, v28;
	v19 =	vadd.f32 v33, v19;
	v22 =	vld.idx.msk [tilespmem:v30+s12+$0x0], $0xffff;
	v30 =	vmov v38  }
0xfc: {  	v23 =	vadd.f32 v34, v23;
	v15 =	vld.idx.msk [tilespmem:v35+s12+$0x0], $0xffff  }
0xfd: {  	v35 =	vmov v31;
	v34 =	vmov v29;
	v33 =	vmov v30  }
.LBB2_12:
0xfe: {  	_ =	sdelay $0x3  }
0xff: {  	v14 =	vld.idx.msk [tilespmem:v14+s12+$0x0], $0xffff  }
0x100: {  	v13 =	vld.idx.msk [tilespmem:v13+s12+$0x0], $0xffff  }
0x101: {  	v29 =	vld.idx.msk [tilespmem:v12+s12+$0x0], $0xffff  }
0x102: {  	v30 =	vld.idx.msk [tilespmem:v32+s12+$0x0], $0xffff  }
0x103: {  	v20 =	vadd.f32 @p1 v20, v24;
	v61 =	vld.idx.msk [tilespmem:v35+s12+$0x0], $0xffff;
	v21 =	vadd.f32 @p1 v21, v25  }
0x104: {  	v17 =	vadd.f32 @p1 v17, v26;
	v62 =	vld.idx.msk [tilespmem:v34+s12+$0x0], $0xffff;
	v12 =	vadd.f32 v15, v16  }
0x105: {  	v15 =	vadd.f32 @p1 v18, v27;
	v18 =	vld.idx.msk [tilespmem:v33+s12+$0x0], $0xffff;
	v16 =	vadd.f32 @p1 v22, v28  }
.Ltmp11:
0x106: {  	v17 =	vpsel p1, v17, v11;
	v19 =	vadd.f32 v14, v19;
	v14 =	vpsel p1, v20, v11;
	(pc) =	sbr.rel .LBB2_13-.Ltmp11, $4  }
0x107: {  	v20 =	vpsel p1, v21, v11;
	v63 =	vpsel p1, v15, v11;
	v11 =	vpsel p1, v16, v11  }
0x108: {  	v13 =	vadd.f32 v13, v23;
	v16 =	vadd.f32 v61, v17  }
0x109: {  	v14 =	vadd.f32 v29, v14;
	v15 =	vadd.f32 v30, v20  }
0x10a: {  	v17 =	vadd.f32 v62, v63;
	v18 =	vadd.f32 v18, v11;
	v11 =	vmov v19  }
.LBB2_7:
.Ltmp12:
0x10b: {  	(pc) =	sbr.rel .LBB2_12-.Ltmp12, $4  }
0x10c: {  	_ = 	snop  }
0x10d: {  	v24 =	vimm.f32 $0.0e+00;
	v25 =	vimm.f32 $0.0e+00  }
0x10e: {  	v26 =	vimm.f32 $0.0e+00;
	v16 =	vimm.f32 $0.0e+00;
	v27 =	vimm.f32 $0.0e+00  }
0x10f: {  	v19 =	vimm.f32 $0.0e+00;
	v28 =	vimm.f32 $0.0e+00;
	v23 =	vimm.f32 $0.0e+00  }
.LBB2_9:
.Ltmp13:
0x110: {  	(pc) =	sbr.rel .LBB2_12-.Ltmp13, $3  }
0x111: {  	_ =	sdelay $0x1  }
0x112: {  	v24 =	vimm.f32 $0.0e+00;
	v25 =	vimm.f32 $0.0e+00;
	v35 =	vmov v31  }
0x113: {  	v26 =	vimm.f32 $0.0e+00;
	v34 =	vmovc v29;
	v27 =	vimm.f32 $0.0e+00;
	v33 =	vmovc v30;
	v28 =	vimm.f32 $0.0e+00  }
.LBB2_16:
0x114: {  	_ =	sfence.sel $0x180000  }
0x115: {  	[bflag:$0x0] =	sbarrier.arrive $0xFFFF  }
0x116: {  	_ =	strace $0x90000047  }
0x117: {  	s0 =	sadd.s32 @!p0 $0x100000, s0;
	[bflag:$0x2] =	sbarrier.arrive $0xFFFF  }
0x118: {  	[sflag:s0] =	ssyncadd.tile.s32 @!p0 $0x1;
	_ =	shalt  }
.Lfunc_end2:
_tile_overlayer_lowered:
.L_overlay_start_2:
0x119: {  	(tag) =	ssettag $0x2  }
0x11a: {  	s0 =	rddreg [dreg:$0x0];
	s2 =	stileid.u32  }
0x11b: {  	s1 =	rddreg [dreg:$0x1];
	p0 =	sne.s32 s2, $0x0  }
0x11c: {  	s3 =	rddreg [dreg:$0x2];
	[bflag:$0x3] =	sbarrier.arrive $0xFFFF;
	s2 =	simm.s32 @!p0 $0x1C01  }
0x11d: {  	[timem:s3], [sflag:s2] =	dma.local @!p0 [hbm:s0], s1  }
0x11e: {  	s0 =	simm.s32 @!p0 $0x1  }
0x11f: {  	_ =	swait.ge @!p0 [sflag:s0], s1  }
0x120: {  	s1 =	ssub.s32 @!p0 $0x0, s1;
	[sflag:s0] =	ssyncset.done @!p0 $0x0  }
0x121: {  	[sflag:s0] =	ssyncadd.s32 @!p0 s1  }
0x122: {  	[bflag:$0x3] =	sbarrier.arrive $0xFFFF  }
0x123: {  	_ =	shalt  }

</sc_bundles>
